<compile_context>
chip_gen: v7x
topology: tpu7x:2x2x1
jax: 0.10.2.dev20260603
libtpu: 0.0.44.dev20260713+nightly
codegen_flags: <defaults>
</compile_context>

<pallas_src>
import functools

import jax
import jax.numpy as jnp
from jax import lax
from jax.experimental import pallas as pl
from jax.experimental.pallas import tpu as pltpu
from jax.experimental.pallas import tpu_sc as plsc

_TCHUNK = 20480
_CHD = 1280
_VSC = 163840
_LN2 = 0.6931471805599453


def _tc_body(logits_ref, noise_ref, idx_ref, logp_ref, cnt_ref, m_ref,
             best_score, best_idx, best_logp, cnt_acc, *, vbase, vlim):
    step = pl.program_id(0)
    nsteps = pl.num_programs(0)

    @pl.when(step == 0)
    def _init():
        best_score[...] = jnp.full(best_score.shape, -1.0, best_score.dtype)
        best_idx[...] = jnp.zeros(best_idx.shape, best_idx.dtype)
        best_logp[...] = jnp.ones(best_logp.shape, best_logp.dtype)
        cnt_acc[...] = jnp.zeros(cnt_acc.shape, cnt_acc.dtype)

    x = logits_ref[...]
    u = noise_ref[...]
    probs = jax.nn.sigmoid(x) * 0.999 + 0.0005
    w = -jnp.log(u)
    ratio = probs / w
    col = (lax.broadcasted_iota(jnp.int32, x.shape, 1)
           + (vbase + step * x.shape[1]))
    valid = col < vlim
    ratio = jnp.where(valid, ratio, -1.0)
    gate = jnp.where(valid & (u < probs), 1.0, 0.0)

    m = jnp.max(ratio, axis=1, keepdims=True)
    hit = ratio == m
    local_idx = jnp.min(jnp.where(hit, col, vlim), axis=1, keepdims=True)
    p_at = jnp.max(jnp.where(col == local_idx, probs, -1.0),
                   axis=1, keepdims=True)
    local_cnt = jnp.sum(gate, axis=1, keepdims=True)

    better = m > best_score[...]
    best_idx[...] = jnp.where(better, local_idx, best_idx[...])
    best_logp[...] = jnp.where(better, p_at, best_logp[...])
    best_score[...] = jnp.where(better, m, best_score[...])
    cnt_acc[...] = cnt_acc[...] + local_cnt

    @pl.when(step == nsteps - 1)
    def _fin():
        idx_ref[...] = best_idx[...]
        logp_ref[...] = jnp.log(best_logp[...])
        cnt_ref[...] = cnt_acc[...]
        m_ref[...] = best_score[...]


def _tc_call(logits, noise, vbase, vlim):
    B = logits.shape[0]
    first = vbase // _TCHUNK
    grid = ((vlim - vbase + _TCHUNK - 1) // _TCHUNK,)
    out_shape = [
        jax.ShapeDtypeStruct((B, 1), jnp.int32),
        jax.ShapeDtypeStruct((B, 1), jnp.float32),
        jax.ShapeDtypeStruct((B, 1), jnp.float32),
        jax.ShapeDtypeStruct((B, 1), jnp.float32),
    ]
    return pl.pallas_call(
        functools.partial(_tc_body, vbase=vbase, vlim=vlim),
        grid=grid,
        in_specs=[
            pl.BlockSpec((B, _TCHUNK), lambda i: (0, i + first)),
            pl.BlockSpec((B, _TCHUNK), lambda i: (0, i + first)),
        ],
        out_specs=[pl.BlockSpec((B, 1), lambda i: (0, 0))] * 4,
        out_shape=out_shape,
        scratch_shapes=[
            pltpu.VMEM((B, 1), jnp.float32),
            pltpu.VMEM((B, 1), jnp.int32),
            pltpu.VMEM((B, 1), jnp.float32),
            pltpu.VMEM((B, 1), jnp.float32),
        ],
        compiler_params=pltpu.CompilerParams(
            dimension_semantics=("arbitrary",)),
    )(logits, noise)


def _neg_ln(u):
    bits = lax.bitcast_convert_type(u, jnp.int32)
    e = (bits >> 23) - 127
    mant = lax.bitcast_convert_type(
        (bits & jnp.int32(0x007FFFFF)) | jnp.int32(0x3F800000), jnp.float32)
    near1 = u > 0.75
    num = jnp.where(near1, u - 1.0, mant - 1.0)
    den = jnp.where(near1, u + 1.0, mant + 1.0)
    y = num / den
    y2 = y * y
    h = 1.0 / 9.0
    h = h * y2 + 1.0 / 7.0
    h = h * y2 + 0.2
    h = h * y2 + 1.0 / 3.0
    h = h * y2 + 1.0
    s2 = 2.0 * (y * h)
    base = jnp.where(near1, 0.0, e.astype(jnp.float32) * _LN2)
    return -(base + s2)


def _sc_call(logits, noise, vstart, vend):
    B, V = logits.shape
    nw = 32
    segw = (vend - vstart) // nw
    nch = segw // _CHD
    mesh = plsc.VectorSubcoreMesh(core_axis_name="c", subcore_axis_name="s")
    out_type = [
        jax.ShapeDtypeStruct((nw, B, 16), jnp.float32),
        jax.ShapeDtypeStruct((nw, B, 16), jnp.int32),
        jax.ShapeDtypeStruct((nw, B, 16), jnp.float32),
        jax.ShapeDtypeStruct((nw, B, 16), jnp.float32),
    ]

    @functools.partial(
        pl.kernel, mesh=mesh, out_type=out_type,
        scratch_types=[
            pltpu.VMEM((B, _CHD), jnp.float32),
            pltpu.VMEM((B, _CHD), jnp.float32),
            pltpu.VMEM((B, 16), jnp.float32),
            pltpu.VMEM((B, 16), jnp.int32),
            pltpu.VMEM((B, 16), jnp.float32),
            pltpu.VMEM((B, 16), jnp.float32),
        ],
    )
    def sck(logits_hbm, noise_hbm, om_hbm, oi_hbm, ot_hbm, oc_hbm,
            xbuf, ubuf, mslab, islab, tslab, cslab):
        w = lax.axis_index("s") * 2 + lax.axis_index("c")
        lanes = lax.iota(jnp.int32, 16)
        colbase = vstart + w * segw

        mslab[...] = jnp.full((B, 16), -1.0, jnp.float32)
        islab[...] = jnp.zeros((B, 16), jnp.int32)
        tslab[...] = jnp.ones((B, 16), jnp.float32)
        cslab[...] = jnp.zeros((B, 16), jnp.float32)

        def do_block(start, nvec):
            def row(r, _):
                def vec(j, carry2):
                    acc_m, acc_i, acc_t, acc_c = carry2
                    x = xbuf[r, pl.ds(j * 16, 16)]
                    u = ubuf[r, pl.ds(j * 16, 16)]
                    t = jnp.exp(-x)
                    a = 0.0005 * t + 0.9995
                    onep = 1.0 + t
                    wv = _neg_ln(u)
                    rr = a / (onep * wv)
                    gate = u * onep < a
                    acc_c = acc_c + jnp.where(gate, 1.0, 0.0)
                    better = rr > acc_m
                    pos = (start + j * 16) + lanes
                    acc_m = jnp.where(better, rr, acc_m)
                    acc_i = jnp.where(better, pos, acc_i)
                    acc_t = jnp.where(better, t, acc_t)
                    return acc_m, acc_i, acc_t, acc_c

                carry = (mslab[r], islab[r], tslab[r], cslab[r])
                acc_m, acc_i, acc_t, acc_c = lax.fori_loop(
                    0, nvec, vec, carry, unroll=4)
                mslab[r] = acc_m
                islab[r] = acc_i
                tslab[r] = acc_t
                cslab[r] = acc_c
                return 0

            lax.fori_loop(0, B, row, 0)

        def chunk(c, _):
            start = colbase + c * _CHD
            pltpu.sync_copy(logits_hbm.at[:, pl.ds(start, _CHD)], xbuf)
            pltpu.sync_copy(noise_hbm.at[:, pl.ds(start, _CHD)], ubuf)
            do_block(start, _CHD // 16)
            return 0

        lax.fori_loop(0, nch, chunk, 0)

        pltpu.sync_copy(mslab, om_hbm.at[w])
        pltpu.sync_copy(islab, oi_hbm.at[w])
        pltpu.sync_copy(tslab, ot_hbm.at[w])
        pltpu.sync_copy(cslab, oc_hbm.at[w])

    return sck(logits, noise)


def kernel(logits, noise):
    B, V = logits.shape
    idx_tc, logp_tc, cnt_tc, m_tc = _tc_call(logits, noise, _VSC, V)
    sc_m, sc_i, sc_t, sc_c = _sc_call(logits, noise, 0, _VSC)

    sc_m2 = jnp.swapaxes(sc_m, 0, 1).reshape(B, -1)
    sc_i2 = jnp.swapaxes(sc_i, 0, 1).reshape(B, -1)
    sc_t2 = jnp.swapaxes(sc_t, 0, 1).reshape(B, -1)
    sc_mrow = jnp.max(sc_m2, axis=1)
    hit = sc_m2 == sc_mrow[:, None]
    sc_idx = jnp.min(jnp.where(hit, sc_i2, V), axis=1)
    sc_tat = jnp.max(jnp.where(hit, sc_t2, -1.0), axis=1)
    sc_logp = jnp.log(0.999 / (1.0 + sc_tat) + 0.0005)
    sc_cnt = jnp.sum(sc_c, axis=(0, 2))

    better = sc_mrow >= m_tc[:, 0]
    idx = jnp.where(better, sc_idx, idx_tc[:, 0])
    chosen_logp = jnp.where(better, sc_logp, logp_tc[:, 0])
    gate_count = cnt_tc[:, 0] + sc_cnt
    return (idx, chosen_logp, gate_count)

# --- scband reference (transcript-rebuilt; emitter-appended) ---
"""Pipeline reference for scband-ambnet-54958401520210 (READ-ONLY COPY).

The authoritative reference and input builder live on the scoring server;
editing this copy changes nothing except your own understanding.
"""

import jax, jax.numpy as jnp
import numpy as np

B = 32
V = 1000000

def setup_inputs(seed: int = 0) -> dict:
    key = jax.random.key(seed)
    k1, k2 = jax.random.split(key)
    logits = jax.random.normal(k1, (B, V), dtype=jnp.float32)
    noise = jax.random.uniform(k2, (B, V), dtype=jnp.float32, minval=1e-7, maxval=1.0 - 1e-7)
    return {"logits": logits, "noise": noise}

def reference(logits, noise):
    # AMBNet sampler core math: branch probabilities via sigmoid with the
    # 0.999 * p + 0.0005 clamp used in the original sampler, then a
    # multinomial draw (Gumbel-max trick over the probability vector,
    # equivalent to torch.multinomial with 1 sample) and bernoulli gating
    # (gate = u < p), as in sub_branch_space_prob.bernoulli().
    probs = jax.nn.sigmoid(logits) * 0.999 + 0.0005
    logp = jnp.log(probs)
    gumbel = -jnp.log(-jnp.log(noise))
    idx = jnp.argmax(logp + gumbel, axis=-1)  # multinomial(probs, 1)
    chosen_logp = jnp.take_along_axis(logp, idx[:, None], axis=-1)[:, 0]
    gates = (noise < probs).astype(jnp.float32)  # bernoulli gate per branch
    gate_count = jnp.sum(gates, axis=-1)
    return (idx, chosen_logp, gate_count)

if __name__ == "__main__":
    import jax
    _d = setup_inputs()
    print(jax.jit(kernel)(*tuple(_d.values())))

</pallas_src>

<mosaic_0001>
#map = affine_map<(d0, d1) -> (0, 0)>
#map1 = affine_map<(d0, d1) -> (0, 0, 0)>
module attributes {stable_mosaic.version = 14 : i64} {
  func.func @sck(%arg0: i32, %arg1: i32, %arg2: memref<32x1000000xf32, #tpu.memory_space<hbm>>, %arg3: memref<32x1000000xf32, #tpu.memory_space<hbm>>, %arg4: memref<32x32x16xf32, #tpu.memory_space<hbm>>, %arg5: memref<32x32x16xi32, #tpu.memory_space<hbm>>, %arg6: memref<32x32x16xf32, #tpu.memory_space<hbm>>, %arg7: memref<32x32x16xf32, #tpu.memory_space<hbm>>, %arg8: memref<32x1280xf32, #tpu.memory_space<vmem>>, %arg9: memref<32x1280xf32, #tpu.memory_space<vmem>>, %arg10: memref<32x16xf32, #tpu.memory_space<vmem>>, %arg11: memref<32x16xi32, #tpu.memory_space<vmem>>, %arg12: memref<32x16xf32, #tpu.memory_space<vmem>>, %arg13: memref<32x16xf32, #tpu.memory_space<vmem>>) attributes {dimension_semantics = [#tpu.dimension_semantics<core_parallel>, #tpu.dimension_semantics<subcore_parallel>], iteration_bounds = array<i64: 2, 16>, scalar_prefetch = 0 : i64, scratch_operands = 6 : i64, tpu.core_type = #tpu.core_type<sc_vector_subcore>, window_params = [{transform_indices = #map}, {transform_indices = #map}, {transform_indices = #map1}, {transform_indices = #map1}, {transform_indices = #map1}, {transform_indices = #map1}]} {
    %mul3A = arith.constant 2 : i32
    %mul3A_0 = arith.muli %arg1, %mul3A : i32
    %add3A = arith.addi %mul3A_0, %arg0 : i32
    %iota3A = tpu.iota {dimensions = array<i32: 0>} : vector<16xi32>
    %mul3A_1 = arith.constant 5120 : i32
    %mul3A_2 = arith.muli %add3A, %mul3A_1 : i32
    %add3A_3 = arith.constant 0 : i32
    %add3A_4 = arith.addi %add3A_3, %mul3A_2 : i32
    %broadcast_in_dim3A = arith.constant -1.000000e+00 : f32
    %broadcast_in_dim3A_5 = vector.broadcast %broadcast_in_dim3A : f32 to vector<32x16xf32>
    %swap3A = arith.constant 0 : index
    %swap3A_6 = arith.constant 0 : index
    %swap3A_7 = tpu.vector_load %arg10[%swap3A, %swap3A_6] {strides = array<i32>} : memref<32x16xf32, #tpu.memory_space<vmem>>, vector<32x16xf32>,
    %swap3A_8 = vector.shape_cast %swap3A_7 : vector<32x16xf32> to vector<32x16xf32>
    %swap3A_9 = vector.shape_cast %broadcast_in_dim3A_5 : vector<32x16xf32> to vector<32x16xf32>
    tpu.vector_store %arg10[%swap3A, %swap3A_6], %swap3A_9 {strides = array<i32>} : memref<32x16xf32, #tpu.memory_space<vmem>>, vector<32x16xf32>,
    %broadcast_in_dim3A_10 = arith.constant 0 : i32
    %broadcast_in_dim3A_11 = vector.broadcast %broadcast_in_dim3A_10 : i32 to vector<32x16xi32>
    %swap3A_12 = arith.constant 0 : index
    %swap3A_13 = arith.constant 0 : index
    %swap3A_14 = tpu.vector_load %arg11[%swap3A_12, %swap3A_13] {strides = array<i32>} : memref<32x16xi32, #tpu.memory_space<vmem>>, vector<32x16xi32>,
    %swap3A_15 = vector.shape_cast %swap3A_14 : vector<32x16xi32> to vector<32x16xi32>
    %swap3A_16 = vector.shape_cast %broadcast_in_dim3A_11 : vector<32x16xi32> to vector<32x16xi32>
    tpu.vector_store %arg11[%swap3A_12, %swap3A_13], %swap3A_16 {strides = array<i32>} : memref<32x16xi32, #tpu.memory_space<vmem>>, vector<32x16xi32>,
    %broadcast_in_dim3A_17 = arith.constant 1.000000e+00 : f32
    %broadcast_in_dim3A_18 = vector.broadcast %broadcast_in_dim3A_17 : f32 to vector<32x16xf32>
    %swap3A_19 = arith.constant 0 : index
    %swap3A_20 = arith.constant 0 : index
    %swap3A_21 = tpu.vector_load %arg12[%swap3A_19, %swap3A_20] {strides = array<i32>} : memref<32x16xf32, #tpu.memory_space<vmem>>, vector<32x16xf32>,
    %swap3A_22 = vector.shape_cast %swap3A_21 : vector<32x16xf32> to vector<32x16xf32>
    %swap3A_23 = vector.shape_cast %broadcast_in_dim3A_18 : vector<32x16xf32> to vector<32x16xf32>
    tpu.vector_store %arg12[%swap3A_19, %swap3A_20], %swap3A_23 {strides = array<i32>} : memref<32x16xf32, #tpu.memory_space<vmem>>, vector<32x16xf32>,
    %broadcast_in_dim3A_24 = arith.constant 0.000000e+00 : f32
    %broadcast_in_dim3A_25 = vector.broadcast %broadcast_in_dim3A_24 : f32 to vector<32x16xf32>
    %swap3A_26 = arith.constant 0 : index
    %swap3A_27 = arith.constant 0 : index
    %swap3A_28 = tpu.vector_load %arg13[%swap3A_26, %swap3A_27] {strides = array<i32>} : memref<32x16xf32, #tpu.memory_space<vmem>>, vector<32x16xf32>,
    %swap3A_29 = vector.shape_cast %swap3A_28 : vector<32x16xf32> to vector<32x16xf32>
    %swap3A_30 = vector.shape_cast %broadcast_in_dim3A_25 : vector<32x16xf32> to vector<32x16xf32>
    tpu.vector_store %arg13[%swap3A_26, %swap3A_27], %swap3A_30 {strides = array<i32>} : memref<32x16xf32, #tpu.memory_space<vmem>>, vector<32x16xf32>,
    %scan3A = arith.constant 0 : i32
    %scan3A_31 = arith.constant 0 : i32
    %scan3A_32 = arith.constant 4 : i32
    %scan3A_33 = arith.addi %scan3A_31, %scan3A_32 : i32
    %scan3A_34 = arith.constant 1 : i32
    %scan3A_35 = scf.for %scan3A_37 = %scan3A_31 to %scan3A_33 step %scan3A_34 iter_args(%scan3A_38 = %scan3A) -> (i32)  : i32 {
      %mul3A_39 = arith.constant 1280 : i32
      %mul3A_40 = arith.muli %scan3A_37, %mul3A_39 : i32
      %add3A_41 = arith.addi %add3A_4, %mul3A_40 : i32
      "tpu.region"() ({
        %run_scoped3A = tpu.sem_alloc : memref<!tpu.dma_semaphore, #tpu.memory_space<semaphore_mem>>
        %dma_start3A = arith.constant 0 : i32
        %dma_start3A_50 = tpu.memref_slice %arg2[%dma_start3A, %add3A_41] : memref<32x1000000xf32, #tpu.memory_space<hbm>> -> memref<32x1280xf32, #tpu.memory_space<hbm>>
        %dma_start3A_51 = arith.constant 0 : i32
        %dma_start3A_52 = tpu.memref_slice %arg2[%dma_start3A_51, %add3A_41] : memref<32x1000000xf32, #tpu.memory_space<hbm>> -> memref<32x1280xf32, #tpu.memory_space<hbm>>
        tpu.enqueue_dma source(%dma_start3A_52 : memref<32x1280xf32, #tpu.memory_space<hbm>>) target(%arg8 : memref<32x1280xf32, #tpu.memory_space<vmem>>) target_semaphore(%run_scoped3A : memref<!tpu.dma_semaphore, #tpu.memory_space<semaphore_mem>>)
        %dma_wait3A = arith.constant 0 : i32
        %dma_wait3A_53 = tpu.memref_slice %arg2[%dma_wait3A, %add3A_41] : memref<32x1000000xf32, #tpu.memory_space<hbm>> -> memref<32x1280xf32, #tpu.memory_space<hbm>>
        %dma_wait3A_54 = arith.constant 0 : i32
        %dma_wait3A_55 = tpu.memref_slice %arg2[%dma_wait3A_54, %add3A_41] : memref<32x1000000xf32, #tpu.memory_space<hbm>> -> memref<32x1280xf32, #tpu.memory_space<hbm>>
        tpu.wait_dma2 semaphore(%run_scoped3A : memref<!tpu.dma_semaphore, #tpu.memory_space<semaphore_mem>>) src(%dma_wait3A_55 : memref<32x1280xf32, #tpu.memory_space<hbm>>) dst(%arg8 : memref<32x1280xf32, #tpu.memory_space<vmem>>)
        tpu.yield
      }) : () -> ()
      "tpu.region"() ({
        %run_scoped3A = tpu.sem_alloc : memref<!tpu.dma_semaphore, #tpu.memory_space<semaphore_mem>>
        %dma_start3A = arith.constant 0 : i32
        %dma_start3A_50 = tpu.memref_slice %arg3[%dma_start3A, %add3A_41] : memref<32x1000000xf32, #tpu.memory_space<hbm>> -> memref<32x1280xf32, #tpu.memory_space<hbm>>
        %dma_start3A_51 = arith.constant 0 : i32
        %dma_start3A_52 = tpu.memref_slice %arg3[%dma_start3A_51, %add3A_41] : memref<32x1000000xf32, #tpu.memory_space<hbm>> -> memref<32x1280xf32, #tpu.memory_space<hbm>>
        tpu.enqueue_dma source(%dma_start3A_52 : memref<32x1280xf32, #tpu.memory_space<hbm>>) target(%arg9 : memref<32x1280xf32, #tpu.memory_space<vmem>>) target_semaphore(%run_scoped3A : memref<!tpu.dma_semaphore, #tpu.memory_space<semaphore_mem>>)
        %dma_wait3A = arith.constant 0 : i32
        %dma_wait3A_53 = tpu.memref_slice %arg3[%dma_wait3A, %add3A_41] : memref<32x1000000xf32, #tpu.memory_space<hbm>> -> memref<32x1280xf32, #tpu.memory_space<hbm>>
        %dma_wait3A_54 = arith.constant 0 : i32
        %dma_wait3A_55 = tpu.memref_slice %arg3[%dma_wait3A_54, %add3A_41] : memref<32x1000000xf32, #tpu.memory_space<hbm>> -> memref<32x1280xf32, #tpu.memory_space<hbm>>
        tpu.wait_dma2 semaphore(%run_scoped3A : memref<!tpu.dma_semaphore, #tpu.memory_space<semaphore_mem>>) src(%dma_wait3A_55 : memref<32x1280xf32, #tpu.memory_space<hbm>>) dst(%arg9 : memref<32x1280xf32, #tpu.memory_space<vmem>>)
        tpu.yield
      }) : () -> ()
      %scan3A_42 = arith.constant 0 : i32
      %scan3A_43 = arith.constant 0 : i32
      %scan3A_44 = arith.constant 32 : i32
      %scan3A_45 = arith.addi %scan3A_43, %scan3A_44 : i32
      %scan3A_46 = arith.constant 1 : i32
      %scan3A_47 = scf.for %scan3A_50 = %scan3A_43 to %scan3A_45 step %scan3A_46 iter_args(%scan3A_51 = %scan3A_42) -> (i32)  : i32 {
        %get3A = arith.index_cast %scan3A_50 : i32 to index
        %get3A_52 = arith.constant 0 : index
        %get3A_53 = tpu.vector_load %arg10[%get3A, %get3A_52] {strides = array<i32>} : memref<32x16xf32, #tpu.memory_space<vmem>>, vector<1x16xf32>,
        %get3A_54 = vector.shape_cast %get3A_53 : vector<1x16xf32> to vector<16xf32>
        %get3A_55 = arith.index_cast %scan3A_50 : i32 to index
        %get3A_56 = arith.constant 0 : index
        %get3A_57 = tpu.vector_load %arg11[%get3A_55, %get3A_56] {strides = array<i32>} : memref<32x16xi32, #tpu.memory_space<vmem>>, vector<1x16xi32>,
        %get3A_58 = vector.shape_cast %get3A_57 : vector<1x16xi32> to vector<16xi32>
        %get3A_59 = arith.index_cast %scan3A_50 : i32 to index
        %get3A_60 = arith.constant 0 : index
        %get3A_61 = tpu.vector_load %arg12[%get3A_59, %get3A_60] {strides = array<i32>} : memref<32x16xf32, #tpu.memory_space<vmem>>, vector<1x16xf32>,
        %get3A_62 = vector.shape_cast %get3A_61 : vector<1x16xf32> to vector<16xf32>
        %get3A_63 = arith.index_cast %scan3A_50 : i32 to index
        %get3A_64 = arith.constant 0 : index
        %get3A_65 = tpu.vector_load %arg13[%get3A_63, %get3A_64] {strides = array<i32>} : memref<32x16xf32, #tpu.memory_space<vmem>>, vector<1x16xf32>,
        %get3A_66 = vector.shape_cast %get3A_65 : vector<1x16xf32> to vector<16xf32>
        %scan3A_67 = arith.constant 0 : i32
        %scan3A_68 = arith.constant 80 : i32
        %scan3A_69 = arith.addi %scan3A_67, %scan3A_68 : i32
        %scan3A_70 = arith.constant 4 : i32
        %scan3A_71:4 = scf.for %scan3A_94 = %scan3A_67 to %scan3A_69 step %scan3A_70 iter_args(%scan3A_95 = %get3A_54, %scan3A_96 = %get3A_58, %scan3A_97 = %get3A_62, %scan3A_98 = %get3A_66) -> (vector<16xf32>, vector<16xi32>, vector<16xf32>, vector<16xf32>)  : i32 {
          %mul3A_99 = arith.constant 16 : i32
          %mul3A_100 = arith.muli %scan3A_94, %mul3A_99 : i32
          %get3A_101 = arith.index_cast %scan3A_50 : i32 to index
          %get3A_102 = arith.index_cast %mul3A_100 : i32 to index
          %get3A_103 = tpu.vector_load %arg8[%get3A_101, %get3A_102] {strides = array<i32>} : memref<32x1280xf32, #tpu.memory_space<vmem>>, vector<1x16xf32>,
          %get3A_104 = vector.shape_cast %get3A_103 : vector<1x16xf32> to vector<16xf32>
          %mul3A_105 = arith.constant 16 : i32
          %mul3A_106 = arith.muli %scan3A_94, %mul3A_105 : i32
          %get3A_107 = arith.index_cast %scan3A_50 : i32 to index
          %get3A_108 = arith.index_cast %mul3A_106 : i32 to index
          %get3A_109 = tpu.vector_load %arg9[%get3A_107, %get3A_108] {strides = array<i32>} : memref<32x1280xf32, #tpu.memory_space<vmem>>, vector<1x16xf32>,
          %get3A_110 = vector.shape_cast %get3A_109 : vector<1x16xf32> to vector<16xf32>
          %neg3A = arith.constant 0.000000e+00 : f32
          %neg3A_111 = vector.broadcast %neg3A : f32 to vector<16xf32>
          %neg3A_112 = arith.subf %neg3A_111, %get3A_104 : vector<16xf32>
          %exp3A = math.exp %neg3A_112 : vector<16xf32>
          %mul3A_113 = arith.constant 5.000000e-04 : f32
          %mul3A_114 = vector.broadcast %mul3A_113 : f32 to vector<16xf32>
          %mul3A_115 = arith.mulf %mul3A_114, %exp3A : vector<16xf32>
          %add3A_116 = arith.constant 0.999499976 : f32
          %add3A_117 = vector.broadcast %add3A_116 : f32 to vector<16xf32>
          %add3A_118 = arith.addf %mul3A_115, %add3A_117 : vector<16xf32>
          %add3A_119 = arith.constant 1.000000e+00 : f32
          %add3A_120 = vector.broadcast %add3A_119 : f32 to vector<16xf32>
          %add3A_121 = arith.addf %add3A_120, %exp3A : vector<16xf32>
          %bitcast_convert_type3A = tpu.bitcast %get3A_110 : vector<16xf32> -> vector<16xi32>
          %shift_right_arithmetic3A = arith.constant 23 : i32
          %shift_right_arithmetic3A_122 = vector.broadcast %shift_right_arithmetic3A : i32 to vector<16xi32>
          %shift_right_arithmetic3A_123 = arith.shrsi %bitcast_convert_type3A, %shift_right_arithmetic3A_122 : vector<16xi32>
          %sub3A = arith.constant 127 : i32
          %sub3A_124 = vector.broadcast %sub3A : i32 to vector<16xi32>
          %sub3A_125 = arith.subi %shift_right_arithmetic3A_123, %sub3A_124 : vector<16xi32>
          %and3A = arith.constant 8388607 : i32
          %and3A_126 = vector.broadcast %and3A : i32 to vector<16xi32>
          %and3A_127 = arith.andi %bitcast_convert_type3A, %and3A_126 : vector<16xi32>
          %or3A = arith.constant 1065353216 : i32
          %or3A_128 = vector.broadcast %or3A : i32 to vector<16xi32>
          %or3A_129 = arith.ori %and3A_127, %or3A_128 : vector<16xi32>
          %bitcast_convert_type3A_130 = tpu.bitcast %or3A_129 : vector<16xi32> -> vector<16xf32>
          %gt3A = arith.constant 7.500000e-01 : f32
          %gt3A_131 = vector.broadcast %gt3A : f32 to vector<16xf32>
          %gt3A_132 = arith.cmpf ogt, %get3A_110, %gt3A_131 : vector<16xf32>
          %sub3A_133 = arith.constant 1.000000e+00 : f32
          %sub3A_134 = vector.broadcast %sub3A_133 : f32 to vector<16xf32>
          %sub3A_135 = arith.subf %get3A_110, %sub3A_134 : vector<16xf32>
          %sub3A_136 = arith.constant 1.000000e+00 : f32
          %sub3A_137 = vector.broadcast %sub3A_136 : f32 to vector<16xf32>
          %sub3A_138 = arith.subf %bitcast_convert_type3A_130, %sub3A_137 : vector<16xf32>
          %select_n3A = arith.select %gt3A_132, %sub3A_135, %sub3A_138 : vector<16xi1>, vector<16xf32>
          %add3A_139 = arith.constant 1.000000e+00 : f32
          %add3A_140 = vector.broadcast %add3A_139 : f32 to vector<16xf32>
          %add3A_141 = arith.addf %get3A_110, %add3A_140 : vector<16xf32>
          %add3A_142 = arith.constant 1.000000e+00 : f32
          %add3A_143 = vector.broadcast %add3A_142 : f32 to vector<16xf32>
          %add3A_144 = arith.addf %bitcast_convert_type3A_130, %add3A_143 : vector<16xf32>
          %select_n3A_145 = arith.select %gt3A_132, %add3A_141, %add3A_144 : vector<16xi1>, vector<16xf32>
          %div3A = arith.divf %select_n3A, %select_n3A_145 : vector<16xf32>
          %mul3A_146 = arith.mulf %div3A, %div3A : vector<16xf32>
          %mul3A_147 = arith.constant 0.111111112 : f32
          %mul3A_148 = vector.broadcast %mul3A_147 : f32 to vector<16xf32>
          %mul3A_149 = arith.mulf %mul3A_148, %mul3A_146 : vector<16xf32>
          %add3A_150 = arith.constant 0.142857149 : f32
          %add3A_151 = vector.broadcast %add3A_150 : f32 to vector<16xf32>
          %add3A_152 = arith.addf %mul3A_149, %add3A_151 : vector<16xf32>
          %mul3A_153 = arith.mulf %add3A_152, %mul3A_146 : vector<16xf32>
          %add3A_154 = arith.constant 2.000000e-01 : f32
          %add3A_155 = vector.broadcast %add3A_154 : f32 to vector<16xf32>
          %add3A_156 = arith.addf %mul3A_153, %add3A_155 : vector<16xf32>
          %mul3A_157 = arith.mulf %add3A_156, %mul3A_146 : vector<16xf32>
          %add3A_158 = arith.constant 0.333333343 : f32
          %add3A_159 = vector.broadcast %add3A_158 : f32 to vector<16xf32>
          %add3A_160 = arith.addf %mul3A_157, %add3A_159 : vector<16xf32>
          %mul3A_161 = arith.mulf %add3A_160, %mul3A_146 : vector<16xf32>
          %add3A_162 = arith.constant 1.000000e+00 : f32
          %add3A_163 = vector.broadcast %add3A_162 : f32 to vector<16xf32>
          %add3A_164 = arith.addf %mul3A_161, %add3A_163 : vector<16xf32>
          %mul3A_165 = arith.mulf %div3A, %add3A_164 : vector<16xf32>
          %mul3A_166 = arith.constant 2.000000e+00 : f32
          %mul3A_167 = vector.broadcast %mul3A_166 : f32 to vector<16xf32>
          %mul3A_168 = arith.mulf %mul3A_167, %mul3A_165 : vector<16xf32>
          %convert_element_type3A = arith.sitofp %sub3A_125 : vector<16xi32> to vector<16xf32>
          %mul3A_169 = arith.constant 0.693147182 : f32
          %mul3A_170 = vector.broadcast %mul3A_169 : f32 to vector<16xf32>
          %mul3A_171 = arith.mulf %convert_element_type3A, %mul3A_170 : vector<16xf32>
          %jit3A = arith.constant 0.000000e+00 : f32
          %broadcast_in_dim3A_172 = vector.broadcast %jit3A : f32 to vector<16xf32>
          %select_n3A_173 = arith.select %gt3A_132, %broadcast_in_dim3A_172, %mul3A_171 : vector<16xi1>, vector<16xf32>
          %add3A_174 = arith.addf %select_n3A_173, %mul3A_168 : vector<16xf32>
          %neg3A_175 = arith.constant 0.000000e+00 : f32
          %neg3A_176 = vector.broadcast %neg3A_175 : f32 to vector<16xf32>
          %neg3A_177 = arith.subf %neg3A_176, %add3A_174 : vector<16xf32>
          %mul3A_178 = arith.mulf %add3A_121, %neg3A_177 : vector<16xf32>
          %div3A_179 = arith.divf %add3A_118, %mul3A_178 : vector<16xf32>
          %mul3A_180 = arith.mulf %get3A_110, %add3A_121 : vector<16xf32>
          %lt3A = arith.cmpf olt, %mul3A_180, %add3A_118 : vector<16xf32>
          %jit3A_181 = arith.constant 1.000000e+00 : f32
          %jit3A_182 = arith.constant 0.000000e+00 : f32
          %broadcast_in_dim3A_183 = vector.broadcast %jit3A_181 : f32 to vector<16xf32>
          %broadcast_in_dim3A_184 = vector.broadcast %jit3A_182 : f32 to vector<16xf32>
          %select_n3A_185 = arith.select %lt3A, %broadcast_in_dim3A_183, %broadcast_in_dim3A_184 : vector<16xi1>, vector<16xf32>
          %add3A_186 = arith.addf %scan3A_98, %select_n3A_185 : vector<16xf32>
          %gt3A_187 = arith.cmpf ogt, %div3A_179, %scan3A_95 : vector<16xf32>
          %mul3A_188 = arith.constant 16 : i32
          %mul3A_189 = arith.muli %scan3A_94, %mul3A_188 : i32
          %add3A_190 = arith.addi %add3A_41, %mul3A_189 : i32
          %add3A_191 = vector.broadcast %add3A_190 : i32 to vector<16xi32>
          %add3A_192 = arith.addi %add3A_191, %iota3A : vector<16xi32>
          %select_n3A_193 = arith.select %gt3A_187, %div3A_179, %scan3A_95 : vector<16xi1>, vector<16xf32>
          %select_n3A_194 = arith.select %gt3A_187, %add3A_192, %scan3A_96 : vector<16xi1>, vector<16xi32>
          %select_n3A_195 = arith.select %gt3A_187, %exp3A, %scan3A_97 : vector<16xi1>, vector<16xf32>
          %scan3A_196 = arith.constant 1 : i32
          %scan3A_197 = arith.addi %scan3A_94, %scan3A_196 : i32
          %mul3A_198 = arith.constant 16 : i32
          %mul3A_199 = arith.muli %scan3A_197, %mul3A_198 : i32
          %get3A_200 = arith.index_cast %scan3A_50 : i32 to index
          %get3A_201 = arith.index_cast %mul3A_199 : i32 to index
          %get3A_202 = tpu.vector_load %arg8[%get3A_200, %get3A_201] {strides = array<i32>} : memref<32x1280xf32, #tpu.memory_space<vmem>>, vector<1x16xf32>,
          %get3A_203 = vector.shape_cast %get3A_202 : vector<1x16xf32> to vector<16xf32>
          %mul3A_204 = arith.constant 16 : i32
          %mul3A_205 = arith.muli %scan3A_197, %mul3A_204 : i32
          %get3A_206 = arith.index_cast %scan3A_50 : i32 to index
          %get3A_207 = arith.index_cast %mul3A_205 : i32 to index
          %get3A_208 = tpu.vector_load %arg9[%get3A_206, %get3A_207] {strides = array<i32>} : memref<32x1280xf32, #tpu.memory_space<vmem>>, vector<1x16xf32>,
          %get3A_209 = vector.shape_cast %get3A_208 : vector<1x16xf32> to vector<16xf32>
          %neg3A_210 = arith.constant 0.000000e+00 : f32
          %neg3A_211 = vector.broadcast %neg3A_210 : f32 to vector<16xf32>
          %neg3A_212 = arith.subf %neg3A_211, %get3A_203 : vector<16xf32>
          %exp3A_213 = math.exp %neg3A_212 : vector<16xf32>
          %mul3A_214 = arith.constant 5.000000e-04 : f32
          %mul3A_215 = vector.broadcast %mul3A_214 : f32 to vector<16xf32>
          %mul3A_216 = arith.mulf %mul3A_215, %exp3A_213 : vector<16xf32>
          %add3A_217 = arith.constant 0.999499976 : f32
          %add3A_218 = vector.broadcast %add3A_217 : f32 to vector<16xf32>
          %add3A_219 = arith.addf %mul3A_216, %add3A_218 : vector<16xf32>
          %add3A_220 = arith.constant 1.000000e+00 : f32
          %add3A_221 = vector.broadcast %add3A_220 : f32 to vector<16xf32>
          %add3A_222 = arith.addf %add3A_221, %exp3A_213 : vector<16xf32>
          %bitcast_convert_type3A_223 = tpu.bitcast %get3A_209 : vector<16xf32> -> vector<16xi32>
          %shift_right_arithmetic3A_224 = arith.constant 23 : i32
          %shift_right_arithmetic3A_225 = vector.broadcast %shift_right_arithmetic3A_224 : i32 to vector<16xi32>
          %shift_right_arithmetic3A_226 = arith.shrsi %bitcast_convert_type3A_223, %shift_right_arithmetic3A_225 : vector<16xi32>
          %sub3A_227 = arith.constant 127 : i32
          %sub3A_228 = vector.broadcast %sub3A_227 : i32 to vector<16xi32>
          %sub3A_229 = arith.subi %shift_right_arithmetic3A_226, %sub3A_228 : vector<16xi32>
          %and3A_230 = arith.constant 8388607 : i32
          %and3A_231 = vector.broadcast %and3A_230 : i32 to vector<16xi32>
          %and3A_232 = arith.andi %bitcast_convert_type3A_223, %and3A_231 : vector<16xi32>
          %or3A_233 = arith.constant 1065353216 : i32
          %or3A_234 = vector.broadcast %or3A_233 : i32 to vector<16xi32>
          %or3A_235 = arith.ori %and3A_232, %or3A_234 : vector<16xi32>
          %bitcast_convert_type3A_236 = tpu.bitcast %or3A_235 : vector<16xi32> -> vector<16xf32>
          %gt3A_237 = arith.constant 7.500000e-01 : f32
          %gt3A_238 = vector.broadcast %gt3A_237 : f32 to vector<16xf32>
          %gt3A_239 = arith.cmpf ogt, %get3A_209, %gt3A_238 : vector<16xf32>
          %sub3A_240 = arith.constant 1.000000e+00 : f32
          %sub3A_241 = vector.broadcast %sub3A_240 : f32 to vector<16xf32>
          %sub3A_242 = arith.subf %get3A_209, %sub3A_241 : vector<16xf32>
          %sub3A_243 = arith.constant 1.000000e+00 : f32
          %sub3A_244 = vector.broadcast %sub3A_243 : f32 to vector<16xf32>
          %sub3A_245 = arith.subf %bitcast_convert_type3A_236, %sub3A_244 : vector<16xf32>
          %select_n3A_246 = arith.select %gt3A_239, %sub3A_242, %sub3A_245 : vector<16xi1>, vector<16xf32>
          %add3A_247 = arith.constant 1.000000e+00 : f32
          %add3A_248 = vector.broadcast %add3A_247 : f32 to vector<16xf32>
          %add3A_249 = arith.addf %get3A_209, %add3A_248 : vector<16xf32>
          %add3A_250 = arith.constant 1.000000e+00 : f32
          %add3A_251 = vector.broadcast %add3A_250 : f32 to vector<16xf32>
          %add3A_252 = arith.addf %bitcast_convert_type3A_236, %add3A_251 : vector<16xf32>
          %select_n3A_253 = arith.select %gt3A_239, %add3A_249, %add3A_252 : vector<16xi1>, vector<16xf32>
          %div3A_254 = arith.divf %select_n3A_246, %select_n3A_253 : vector<16xf32>
          %mul3A_255 = arith.mulf %div3A_254, %div3A_254 : vector<16xf32>
          %mul3A_256 = arith.constant 0.111111112 : f32
          %mul3A_257 = vector.broadcast %mul3A_256 : f32 to vector<16xf32>
          %mul3A_258 = arith.mulf %mul3A_257, %mul3A_255 : vector<16xf32>
          %add3A_259 = arith.constant 0.142857149 : f32
          %add3A_260 = vector.broadcast %add3A_259 : f32 to vector<16xf32>
          %add3A_261 = arith.addf %mul3A_258, %add3A_260 : vector<16xf32>
          %mul3A_262 = arith.mulf %add3A_261, %mul3A_255 : vector<16xf32>
          %add3A_263 = arith.constant 2.000000e-01 : f32
          %add3A_264 = vector.broadcast %add3A_263 : f32 to vector<16xf32>
          %add3A_265 = arith.addf %mul3A_262, %add3A_264 : vector<16xf32>
          %mul3A_266 = arith.mulf %add3A_265, %mul3A_255 : vector<16xf32>
          %add3A_267 = arith.constant 0.333333343 : f32
          %add3A_268 = vector.broadcast %add3A_267 : f32 to vector<16xf32>
          %add3A_269 = arith.addf %mul3A_266, %add3A_268 : vector<16xf32>
          %mul3A_270 = arith.mulf %add3A_269, %mul3A_255 : vector<16xf32>
          %add3A_271 = arith.constant 1.000000e+00 : f32
          %add3A_272 = vector.broadcast %add3A_271 : f32 to vector<16xf32>
          %add3A_273 = arith.addf %mul3A_270, %add3A_272 : vector<16xf32>
          %mul3A_274 = arith.mulf %div3A_254, %add3A_273 : vector<16xf32>
          %mul3A_275 = arith.constant 2.000000e+00 : f32
          %mul3A_276 = vector.broadcast %mul3A_275 : f32 to vector<16xf32>
          %mul3A_277 = arith.mulf %mul3A_276, %mul3A_274 : vector<16xf32>
          %convert_element_type3A_278 = arith.sitofp %sub3A_229 : vector<16xi32> to vector<16xf32>
          %mul3A_279 = arith.constant 0.693147182 : f32
          %mul3A_280 = vector.broadcast %mul3A_279 : f32 to vector<16xf32>
          %mul3A_281 = arith.mulf %convert_element_type3A_278, %mul3A_280 : vector<16xf32>
          %jit3A_282 = arith.constant 0.000000e+00 : f32
          %broadcast_in_dim3A_283 = vector.broadcast %jit3A_282 : f32 to vector<16xf32>
          %select_n3A_284 = arith.select %gt3A_239, %broadcast_in_dim3A_283, %mul3A_281 : vector<16xi1>, vector<16xf32>
          %add3A_285 = arith.addf %select_n3A_284, %mul3A_277 : vector<16xf32>
          %neg3A_286 = arith.constant 0.000000e+00 : f32
          %neg3A_287 = vector.broadcast %neg3A_286 : f32 to vector<16xf32>
          %neg3A_288 = arith.subf %neg3A_287, %add3A_285 : vector<16xf32>
          %mul3A_289 = arith.mulf %add3A_222, %neg3A_288 : vector<16xf32>
          %div3A_290 = arith.divf %add3A_219, %mul3A_289 : vector<16xf32>
          %mul3A_291 = arith.mulf %get3A_209, %add3A_222 : vector<16xf32>
          %lt3A_292 = arith.cmpf olt, %mul3A_291, %add3A_219 : vector<16xf32>
          %jit3A_293 = arith.constant 1.000000e+00 : f32
          %jit3A_294 = arith.constant 0.000000e+00 : f32
          %broadcast_in_dim3A_295 = vector.broadcast %jit3A_293 : f32 to vector<16xf32>
          %broadcast_in_dim3A_296 = vector.broadcast %jit3A_294 : f32 to vector<16xf32>
          %select_n3A_297 = arith.select %lt3A_292, %broadcast_in_dim3A_295, %broadcast_in_dim3A_296 : vector<16xi1>, vector<16xf32>
          %add3A_298 = arith.addf %add3A_186, %select_n3A_297 : vector<16xf32>
          %gt3A_299 = arith.cmpf ogt, %div3A_290, %select_n3A_193 : vector<16xf32>
          %mul3A_300 = arith.constant 16 : i32
          %mul3A_301 = arith.muli %scan3A_197, %mul3A_300 : i32
          %add3A_302 = arith.addi %add3A_41, %mul3A_301 : i32
          %add3A_303 = vector.broadcast %add3A_302 : i32 to vector<16xi32>
          %add3A_304 = arith.addi %add3A_303, %iota3A : vector<16xi32>
          %select_n3A_305 = arith.select %gt3A_299, %div3A_290, %select_n3A_193 : vector<16xi1>, vector<16xf32>
          %select_n3A_306 = arith.select %gt3A_299, %add3A_304, %select_n3A_194 : vector<16xi1>, vector<16xi32>
          %select_n3A_307 = arith.select %gt3A_299, %exp3A_213, %select_n3A_195 : vector<16xi1>, vector<16xf32>
          %scan3A_308 = arith.constant 2 : i32
          %scan3A_309 = arith.addi %scan3A_94, %scan3A_308 : i32
          %mul3A_310 = arith.constant 16 : i32
          %mul3A_311 = arith.muli %scan3A_309, %mul3A_310 : i32
          %get3A_312 = arith.index_cast %scan3A_50 : i32 to index
          %get3A_313 = arith.index_cast %mul3A_311 : i32 to index
          %get3A_314 = tpu.vector_load %arg8[%get3A_312, %get3A_313] {strides = array<i32>} : memref<32x1280xf32, #tpu.memory_space<vmem>>, vector<1x16xf32>,
          %get3A_315 = vector.shape_cast %get3A_314 : vector<1x16xf32> to vector<16xf32>
          %mul3A_316 = arith.constant 16 : i32
          %mul3A_317 = arith.muli %scan3A_309, %mul3A_316 : i32
          %get3A_318 = arith.index_cast %scan3A_50 : i32 to index
          %get3A_319 = arith.index_cast %mul3A_317 : i32 to index
          %get3A_320 = tpu.vector_load %arg9[%get3A_318, %get3A_319] {strides = array<i32>} : memref<32x1280xf32, #tpu.memory_space<vmem>>, vector<1x16xf32>,
          %get3A_321 = vector.shape_cast %get3A_320 : vector<1x16xf32> to vector<16xf32>
          %neg3A_322 = arith.constant 0.000000e+00 : f32
          %neg3A_323 = vector.broadcast %neg3A_322 : f32 to vector<16xf32>
          %neg3A_324 = arith.subf %neg3A_323, %get3A_315 : vector<16xf32>
          %exp3A_325 = math.exp %neg3A_324 : vector<16xf32>
          %mul3A_326 = arith.constant 5.000000e-04 : f32
          %mul3A_327 = vector.broadcast %mul3A_326 : f32 to vector<16xf32>
          %mul3A_328 = arith.mulf %mul3A_327, %exp3A_325 : vector<16xf32>
          %add3A_329 = arith.constant 0.999499976 : f32
          %add3A_330 = vector.broadcast %add3A_329 : f32 to vector<16xf32>
          %add3A_331 = arith.addf %mul3A_328, %add3A_330 : vector<16xf32>
          %add3A_332 = arith.constant 1.000000e+00 : f32
          %add3A_333 = vector.broadcast %add3A_332 : f32 to vector<16xf32>
          %add3A_334 = arith.addf %add3A_333, %exp3A_325 : vector<16xf32>
          %bitcast_convert_type3A_335 = tpu.bitcast %get3A_321 : vector<16xf32> -> vector<16xi32>
          %shift_right_arithmetic3A_336 = arith.constant 23 : i32
          %shift_right_arithmetic3A_337 = vector.broadcast %shift_right_arithmetic3A_336 : i32 to vector<16xi32>
          %shift_right_arithmetic3A_338 = arith.shrsi %bitcast_convert_type3A_335, %shift_right_arithmetic3A_337 : vector<16xi32>
          %sub3A_339 = arith.constant 127 : i32
          %sub3A_340 = vector.broadcast %sub3A_339 : i32 to vector<16xi32>
          %sub3A_341 = arith.subi %shift_right_arithmetic3A_338, %sub3A_340 : vector<16xi32>
          %and3A_342 = arith.constant 8388607 : i32
          %and3A_343 = vector.broadcast %and3A_342 : i32 to vector<16xi32>
          %and3A_344 = arith.andi %bitcast_convert_type3A_335, %and3A_343 : vector<16xi32>
          %or3A_345 = arith.constant 1065353216 : i32
          %or3A_346 = vector.broadcast %or3A_345 : i32 to vector<16xi32>
          %or3A_347 = arith.ori %and3A_344, %or3A_346 : vector<16xi32>
          %bitcast_convert_type3A_348 = tpu.bitcast %or3A_347 : vector<16xi32> -> vector<16xf32>
          %gt3A_349 = arith.constant 7.500000e-01 : f32
          %gt3A_350 = vector.broadcast %gt3A_349 : f32 to vector<16xf32>
          %gt3A_351 = arith.cmpf ogt, %get3A_321, %gt3A_350 : vector<16xf32>
          %sub3A_352 = arith.constant 1.000000e+00 : f32
          %sub3A_353 = vector.broadcast %sub3A_352 : f32 to vector<16xf32>
          %sub3A_354 = arith.subf %get3A_321, %sub3A_353 : vector<16xf32>
          %sub3A_355 = arith.constant 1.000000e+00 : f32
          %sub3A_356 = vector.broadcast %sub3A_355 : f32 to vector<16xf32>
          %sub3A_357 = arith.subf %bitcast_convert_type3A_348, %sub3A_356 : vector<16xf32>
          %select_n3A_358 = arith.select %gt3A_351, %sub3A_354, %sub3A_357 : vector<16xi1>, vector<16xf32>
          %add3A_359 = arith.constant 1.000000e+00 : f32
          %add3A_360 = vector.broadcast %add3A_359 : f32 to vector<16xf32>
          %add3A_361 = arith.addf %get3A_321, %add3A_360 : vector<16xf32>
          %add3A_362 = arith.constant 1.000000e+00 : f32
          %add3A_363 = vector.broadcast %add3A_362 : f32 to vector<16xf32>
          %add3A_364 = arith.addf %bitcast_convert_type3A_348, %add3A_363 : vector<16xf32>
          %select_n3A_365 = arith.select %gt3A_351, %add3A_361, %add3A_364 : vector<16xi1>, vector<16xf32>
          %div3A_366 = arith.divf %select_n3A_358, %select_n3A_365 : vector<16xf32>
          %mul3A_367 = arith.mulf %div3A_366, %div3A_366 : vector<16xf32>
          %mul3A_368 = arith.constant 0.111111112 : f32
          %mul3A_369 = vector.broadcast %mul3A_368 : f32 to vector<16xf32>
          %mul3A_370 = arith.mulf %mul3A_369, %mul3A_367 : vector<16xf32>
          %add3A_371 = arith.constant 0.142857149 : f32
          %add3A_372 = vector.broadcast %add3A_371 : f32 to vector<16xf32>
          %add3A_373 = arith.addf %mul3A_370, %add3A_372 : vector<16xf32>
          %mul3A_374 = arith.mulf %add3A_373, %mul3A_367 : vector<16xf32>
          %add3A_375 = arith.constant 2.000000e-01 : f32
          %add3A_376 = vector.broadcast %add3A_375 : f32 to vector<16xf32>
          %add3A_377 = arith.addf %mul3A_374, %add3A_376 : vector<16xf32>
          %mul3A_378 = arith.mulf %add3A_377, %mul3A_367 : vector<16xf32>
          %add3A_379 = arith.constant 0.333333343 : f32
          %add3A_380 = vector.broadcast %add3A_379 : f32 to vector<16xf32>
          %add3A_381 = arith.addf %mul3A_378, %add3A_380 : vector<16xf32>
          %mul3A_382 = arith.mulf %add3A_381, %mul3A_367 : vector<16xf32>
          %add3A_383 = arith.constant 1.000000e+00 : f32
          %add3A_384 = vector.broadcast %add3A_383 : f32 to vector<16xf32>
          %add3A_385 = arith.addf %mul3A_382, %add3A_384 : vector<16xf32>
          %mul3A_386 = arith.mulf %div3A_366, %add3A_385 : vector<16xf32>
          %mul3A_387 = arith.constant 2.000000e+00 : f32
          %mul3A_388 = vector.broadcast %mul3A_387 : f32 to vector<16xf32>
          %mul3A_389 = arith.mulf %mul3A_388, %mul3A_386 : vector<16xf32>
          %convert_element_type3A_390 = arith.sitofp %sub3A_341 : vector<16xi32> to vector<16xf32>
          %mul3A_391 = arith.constant 0.693147182 : f32
          %mul3A_392 = vector.broadcast %mul3A_391 : f32 to vector<16xf32>
          %mul3A_393 = arith.mulf %convert_element_type3A_390, %mul3A_392 : vector<16xf32>
          %jit3A_394 = arith.constant 0.000000e+00 : f32
          %broadcast_in_dim3A_395 = vector.broadcast %jit3A_394 : f32 to vector<16xf32>
          %select_n3A_396 = arith.select %gt3A_351, %broadcast_in_dim3A_395, %mul3A_393 : vector<16xi1>, vector<16xf32>
          %add3A_397 = arith.addf %select_n3A_396, %mul3A_389 : vector<16xf32>
          %neg3A_398 = arith.constant 0.000000e+00 : f32
          %neg3A_399 = vector.broadcast %neg3A_398 : f32 to vector<16xf32>
          %neg3A_400 = arith.subf %neg3A_399, %add3A_397 : vector<16xf32>
          %mul3A_401 = arith.mulf %add3A_334, %neg3A_400 : vector<16xf32>
          %div3A_402 = arith.divf %add3A_331, %mul3A_401 : vector<16xf32>
          %mul3A_403 = arith.mulf %get3A_321, %add3A_334 : vector<16xf32>
          %lt3A_404 = arith.cmpf olt, %mul3A_403, %add3A_331 : vector<16xf32>
          %jit3A_405 = arith.constant 1.000000e+00 : f32
          %jit3A_406 = arith.constant 0.000000e+00 : f32
          %broadcast_in_dim3A_407 = vector.broadcast %jit3A_405 : f32 to vector<16xf32>
          %broadcast_in_dim3A_408 = vector.broadcast %jit3A_406 : f32 to vector<16xf32>
          %select_n3A_409 = arith.select %lt3A_404, %broadcast_in_dim3A_407, %broadcast_in_dim3A_408 : vector<16xi1>, vector<16xf32>
          %add3A_410 = arith.addf %add3A_298, %select_n3A_409 : vector<16xf32>
          %gt3A_411 = arith.cmpf ogt, %div3A_402, %select_n3A_305 : vector<16xf32>
          %mul3A_412 = arith.constant 16 : i32
          %mul3A_413 = arith.muli %scan3A_309, %mul3A_412 : i32
          %add3A_414 = arith.addi %add3A_41, %mul3A_413 : i32
          %add3A_415 = vector.broadcast %add3A_414 : i32 to vector<16xi32>
          %add3A_416 = arith.addi %add3A_415, %iota3A : vector<16xi32>
          %select_n3A_417 = arith.select %gt3A_411, %div3A_402, %select_n3A_305 : vector<16xi1>, vector<16xf32>
          %select_n3A_418 = arith.select %gt3A_411, %add3A_416, %select_n3A_306 : vector<16xi1>, vector<16xi32>
          %select_n3A_419 = arith.select %gt3A_411, %exp3A_325, %select_n3A_307 : vector<16xi1>, vector<16xf32>
          %scan3A_420 = arith.constant 3 : i32
          %scan3A_421 = arith.addi %scan3A_94, %scan3A_420 : i32
          %mul3A_422 = arith.constant 16 : i32
          %mul3A_423 = arith.muli %scan3A_421, %mul3A_422 : i32
          %get3A_424 = arith.index_cast %scan3A_50 : i32 to index
          %get3A_425 = arith.index_cast %mul3A_423 : i32 to index
          %get3A_426 = tpu.vector_load %arg8[%get3A_424, %get3A_425] {strides = array<i32>} : memref<32x1280xf32, #tpu.memory_space<vmem>>, vector<1x16xf32>,
          %get3A_427 = vector.shape_cast %get3A_426 : vector<1x16xf32> to vector<16xf32>
          %mul3A_428 = arith.constant 16 : i32
          %mul3A_429 = arith.muli %scan3A_421, %mul3A_428 : i32
          %get3A_430 = arith.index_cast %scan3A_50 : i32 to index
          %get3A_431 = arith.index_cast %mul3A_429 : i32 to index
          %get3A_432 = tpu.vector_load %arg9[%get3A_430, %get3A_431] {strides = array<i32>} : memref<32x1280xf32, #tpu.memory_space<vmem>>, vector<1x16xf32>,
          %get3A_433 = vector.shape_cast %get3A_432 : vector<1x16xf32> to vector<16xf32>
          %neg3A_434 = arith.constant 0.000000e+00 : f32
          %neg3A_435 = vector.broadcast %neg3A_434 : f32 to vector<16xf32>
          %neg3A_436 = arith.subf %neg3A_435, %get3A_427 : vector<16xf32>
          %exp3A_437 = math.exp %neg3A_436 : vector<16xf32>
          %mul3A_438 = arith.constant 5.000000e-04 : f32
          %mul3A_439 = vector.broadcast %mul3A_438 : f32 to vector<16xf32>
          %mul3A_440 = arith.mulf %mul3A_439, %exp3A_437 : vector<16xf32>
          %add3A_441 = arith.constant 0.999499976 : f32
          %add3A_442 = vector.broadcast %add3A_441 : f32 to vector<16xf32>
          %add3A_443 = arith.addf %mul3A_440, %add3A_442 : vector<16xf32>
          %add3A_444 = arith.constant 1.000000e+00 : f32
          %add3A_445 = vector.broadcast %add3A_444 : f32 to vector<16xf32>
          %add3A_446 = arith.addf %add3A_445, %exp3A_437 : vector<16xf32>
          %bitcast_convert_type3A_447 = tpu.bitcast %get3A_433 : vector<16xf32> -> vector<16xi32>
          %shift_right_arithmetic3A_448 = arith.constant 23 : i32
          %shift_right_arithmetic3A_449 = vector.broadcast %shift_right_arithmetic3A_448 : i32 to vector<16xi32>
          %shift_right_arithmetic3A_450 = arith.shrsi %bitcast_convert_type3A_447, %shift_right_arithmetic3A_449 : vector<16xi32>
          %sub3A_451 = arith.constant 127 : i32
          %sub3A_452 = vector.broadcast %sub3A_451 : i32 to vector<16xi32>
          %sub3A_453 = arith.subi %shift_right_arithmetic3A_450, %sub3A_452 : vector<16xi32>
          %and3A_454 = arith.constant 8388607 : i32
          %and3A_455 = vector.broadcast %and3A_454 : i32 to vector<16xi32>
          %and3A_456 = arith.andi %bitcast_convert_type3A_447, %and3A_455 : vector<16xi32>
          %or3A_457 = arith.constant 1065353216 : i32
          %or3A_458 = vector.broadcast %or3A_457 : i32 to vector<16xi32>
          %or3A_459 = arith.ori %and3A_456, %or3A_458 : vector<16xi32>
          %bitcast_convert_type3A_460 = tpu.bitcast %or3A_459 : vector<16xi32> -> vector<16xf32>
          %gt3A_461 = arith.constant 7.500000e-01 : f32
          %gt3A_462 = vector.broadcast %gt3A_461 : f32 to vector<16xf32>
          %gt3A_463 = arith.cmpf ogt, %get3A_433, %gt3A_462 : vector<16xf32>
          %sub3A_464 = arith.constant 1.000000e+00 : f32
          %sub3A_465 = vector.broadcast %sub3A_464 : f32 to vector<16xf32>
          %sub3A_466 = arith.subf %get3A_433, %sub3A_465 : vector<16xf32>
          %sub3A_467 = arith.constant 1.000000e+00 : f32
          %sub3A_468 = vector.broadcast %sub3A_467 : f32 to vector<16xf32>
          %sub3A_469 = arith.subf %bitcast_convert_type3A_460, %sub3A_468 : vector<16xf32>
          %select_n3A_470 = arith.select %gt3A_463, %sub3A_466, %sub3A_469 : vector<16xi1>, vector<16xf32>
          %add3A_471 = arith.constant 1.000000e+00 : f32
          %add3A_472 = vector.broadcast %add3A_471 : f32 to vector<16xf32>
          %add3A_473 = arith.addf %get3A_433, %add3A_472 : vector<16xf32>
          %add3A_474 = arith.constant 1.000000e+00 : f32
          %add3A_475 = vector.broadcast %add3A_474 : f32 to vector<16xf32>
          %add3A_476 = arith.addf %bitcast_convert_type3A_460, %add3A_475 : vector<16xf32>
          %select_n3A_477 = arith.select %gt3A_463, %add3A_473, %add3A_476 : vector<16xi1>, vector<16xf32>
          %div3A_478 = arith.divf %select_n3A_470, %select_n3A_477 : vector<16xf32>
          %mul3A_479 = arith.mulf %div3A_478, %div3A_478 : vector<16xf32>
          %mul3A_480 = arith.constant 0.111111112 : f32
          %mul3A_481 = vector.broadcast %mul3A_480 : f32 to vector<16xf32>
          %mul3A_482 = arith.mulf %mul3A_481, %mul3A_479 : vector<16xf32>
          %add3A_483 = arith.constant 0.142857149 : f32
          %add3A_484 = vector.broadcast %add3A_483 : f32 to vector<16xf32>
          %add3A_485 = arith.addf %mul3A_482, %add3A_484 : vector<16xf32>
          %mul3A_486 = arith.mulf %add3A_485, %mul3A_479 : vector<16xf32>
          %add3A_487 = arith.constant 2.000000e-01 : f32
          %add3A_488 = vector.broadcast %add3A_487 : f32 to vector<16xf32>
          %add3A_489 = arith.addf %mul3A_486, %add3A_488 : vector<16xf32>
          %mul3A_490 = arith.mulf %add3A_489, %mul3A_479 : vector<16xf32>
          %add3A_491 = arith.constant 0.333333343 : f32
          %add3A_492 = vector.broadcast %add3A_491 : f32 to vector<16xf32>
          %add3A_493 = arith.addf %mul3A_490, %add3A_492 : vector<16xf32>
          %mul3A_494 = arith.mulf %add3A_493, %mul3A_479 : vector<16xf32>
          %add3A_495 = arith.constant 1.000000e+00 : f32
          %add3A_496 = vector.broadcast %add3A_495 : f32 to vector<16xf32>
          %add3A_497 = arith.addf %mul3A_494, %add3A_496 : vector<16xf32>
          %mul3A_498 = arith.mulf %div3A_478, %add3A_497 : vector<16xf32>
          %mul3A_499 = arith.constant 2.000000e+00 : f32
          %mul3A_500 = vector.broadcast %mul3A_499 : f32 to vector<16xf32>
          %mul3A_501 = arith.mulf %mul3A_500, %mul3A_498 : vector<16xf32>
          %convert_element_type3A_502 = arith.sitofp %sub3A_453 : vector<16xi32> to vector<16xf32>
          %mul3A_503 = arith.constant 0.693147182 : f32
          %mul3A_504 = vector.broadcast %mul3A_503 : f32 to vector<16xf32>
          %mul3A_505 = arith.mulf %convert_element_type3A_502, %mul3A_504 : vector<16xf32>
          %jit3A_506 = arith.constant 0.000000e+00 : f32
          %broadcast_in_dim3A_507 = vector.broadcast %jit3A_506 : f32 to vector<16xf32>
          %select_n3A_508 = arith.select %gt3A_463, %broadcast_in_dim3A_507, %mul3A_505 : vector<16xi1>, vector<16xf32>
          %add3A_509 = arith.addf %select_n3A_508, %mul3A_501 : vector<16xf32>
          %neg3A_510 = arith.constant 0.000000e+00 : f32
          %neg3A_511 = vector.broadcast %neg3A_510 : f32 to vector<16xf32>
          %neg3A_512 = arith.subf %neg3A_511, %add3A_509 : vector<16xf32>
          %mul3A_513 = arith.mulf %add3A_446, %neg3A_512 : vector<16xf32>
          %div3A_514 = arith.divf %add3A_443, %mul3A_513 : vector<16xf32>
          %mul3A_515 = arith.mulf %get3A_433, %add3A_446 : vector<16xf32>
          %lt3A_516 = arith.cmpf olt, %mul3A_515, %add3A_443 : vector<16xf32>
          %jit3A_517 = arith.constant 1.000000e+00 : f32
          %jit3A_518 = arith.constant 0.000000e+00 : f32
          %broadcast_in_dim3A_519 = vector.broadcast %jit3A_517 : f32 to vector<16xf32>
          %broadcast_in_dim3A_520 = vector.broadcast %jit3A_518 : f32 to vector<16xf32>
          %select_n3A_521 = arith.select %lt3A_516, %broadcast_in_dim3A_519, %broadcast_in_dim3A_520 : vector<16xi1>, vector<16xf32>
          %add3A_522 = arith.addf %add3A_410, %select_n3A_521 : vector<16xf32>
          %gt3A_523 = arith.cmpf ogt, %div3A_514, %select_n3A_417 : vector<16xf32>
          %mul3A_524 = arith.constant 16 : i32
          %mul3A_525 = arith.muli %scan3A_421, %mul3A_524 : i32
          %add3A_526 = arith.addi %add3A_41, %mul3A_525 : i32
          %add3A_527 = vector.broadcast %add3A_526 : i32 to vector<16xi32>
          %add3A_528 = arith.addi %add3A_527, %iota3A : vector<16xi32>
          %select_n3A_529 = arith.select %gt3A_523, %div3A_514, %select_n3A_417 : vector<16xi1>, vector<16xf32>
          %select_n3A_530 = arith.select %gt3A_523, %add3A_528, %select_n3A_418 : vector<16xi1>, vector<16xi32>
          %select_n3A_531 = arith.select %gt3A_523, %exp3A_437, %select_n3A_419 : vector<16xi1>, vector<16xf32>
          scf.yield %select_n3A_529, %select_n3A_530, %select_n3A_531, %add3A_522 : vector<16xf32>, vector<16xi32>, vector<16xf32>, vector<16xf32>
        }
        %scan3A_72 = arith.constant 80 : i32
        %swap3A_73 = arith.index_cast %scan3A_50 : i32 to index
        %swap3A_74 = arith.constant 0 : index
        %swap3A_75 = tpu.vector_load %arg10[%swap3A_73, %swap3A_74] {strides = array<i32>} : memref<32x16xf32, #tpu.memory_space<vmem>>, vector<1x16xf32>,
        %swap3A_76 = vector.shape_cast %swap3A_75 : vector<1x16xf32> to vector<16xf32>
        %swap3A_77 = vector.shape_cast %scan3A_71#0 : vector<16xf32> to vector<1x16xf32>
        tpu.vector_store %arg10[%swap3A_73, %swap3A_74], %swap3A_77 {strides = array<i32>} : memref<32x16xf32, #tpu.memory_space<vmem>>, vector<1x16xf32>,
        %swap3A_78 = arith.index_cast %scan3A_50 : i32 to index
        %swap3A_79 = arith.constant 0 : index
        %swap3A_80 = tpu.vector_load %arg11[%swap3A_78, %swap3A_79] {strides = array<i32>} : memref<32x16xi32, #tpu.memory_space<vmem>>, vector<1x16xi32>,
        %swap3A_81 = vector.shape_cast %swap3A_80 : vector<1x16xi32> to vector<16xi32>
        %swap3A_82 = vector.shape_cast %scan3A_71#1 : vector<16xi32> to vector<1x16xi32>
        tpu.vector_store %arg11[%swap3A_78, %swap3A_79], %swap3A_82 {strides = array<i32>} : memref<32x16xi32, #tpu.memory_space<vmem>>, vector<1x16xi32>,
        %swap3A_83 = arith.index_cast %scan3A_50 : i32 to index
        %swap3A_84 = arith.constant 0 : index
        %swap3A_85 = tpu.vector_load %arg12[%swap3A_83, %swap3A_84] {strides = array<i32>} : memref<32x16xf32, #tpu.memory_space<vmem>>, vector<1x16xf32>,
        %swap3A_86 = vector.shape_cast %swap3A_85 : vector<1x16xf32> to vector<16xf32>
        %swap3A_87 = vector.shape_cast %scan3A_71#2 : vector<16xf32> to vector<1x16xf32>
        tpu.vector_store %arg12[%swap3A_83, %swap3A_84], %swap3A_87 {strides = array<i32>} : memref<32x16xf32, #tpu.memory_space<vmem>>, vector<1x16xf32>,
        %swap3A_88 = arith.index_cast %scan3A_50 : i32 to index
        %swap3A_89 = arith.constant 0 : index
        %swap3A_90 = tpu.vector_load %arg13[%swap3A_88, %swap3A_89] {strides = array<i32>} : memref<32x16xf32, #tpu.memory_space<vmem>>, vector<1x16xf32>,
        %swap3A_91 = vector.shape_cast %swap3A_90 : vector<1x16xf32> to vector<16xf32>
        %swap3A_92 = vector.shape_cast %scan3A_71#3 : vector<16xf32> to vector<1x16xf32>
        tpu.vector_store %arg13[%swap3A_88, %swap3A_89], %swap3A_92 {strides = array<i32>} : memref<32x16xf32, #tpu.memory_space<vmem>>, vector<1x16xf32>,
        %scan3A_93 = arith.constant 0 : i32
        scf.yield %scan3A_93 : i32
      }
      %scan3A_48 = arith.constant 32 : i32
      %scan3A_49 = arith.constant 0 : i32
      scf.yield %scan3A_49 : i32
    }
    %scan3A_36 = arith.constant 4 : i32
    "tpu.region"() ({
      %run_scoped3A = tpu.sem_alloc : memref<!tpu.dma_semaphore, #tpu.memory_space<semaphore_mem>>
      %dma_start3A = arith.constant 0 : i32
      %dma_start3A_37 = arith.constant 0 : i32
      %dma_start3A_38 = tpu.memref_slice %arg4[%add3A, %dma_start3A, %dma_start3A_37] : memref<32x32x16xf32, #tpu.memory_space<hbm>> -> memref<1x32x16xf32, #tpu.memory_space<hbm>>
      %dma_start3A_39 = tpu.memref_squeeze %dma_start3A_38 : memref<1x32x16xf32, #tpu.memory_space<hbm>> -> memref<32x16xf32, #tpu.memory_space<hbm>>
      %dma_start3A_40 = arith.constant 0 : i32
      %dma_start3A_41 = arith.constant 0 : i32
      %dma_start3A_42 = tpu.memref_slice %arg4[%add3A, %dma_start3A_40, %dma_start3A_41] : memref<32x32x16xf32, #tpu.memory_space<hbm>> -> memref<1x32x16xf32, #tpu.memory_space<hbm>>
      %dma_start3A_43 = tpu.memref_squeeze %dma_start3A_42 : memref<1x32x16xf32, #tpu.memory_space<hbm>> -> memref<32x16xf32, #tpu.memory_space<hbm>>
      tpu.enqueue_dma source(%arg10 : memref<32x16xf32, #tpu.memory_space<vmem>>) target(%dma_start3A_43 : memref<32x16xf32, #tpu.memory_space<hbm>>) target_semaphore(%run_scoped3A : memref<!tpu.dma_semaphore, #tpu.memory_space<semaphore_mem>>)
      %dma_wait3A = arith.constant 0 : i32
      %dma_wait3A_44 = arith.constant 0 : i32
      %dma_wait3A_45 = tpu.memref_slice %arg4[%add3A, %dma_wait3A, %dma_wait3A_44] : memref<32x32x16xf32, #tpu.memory_space<hbm>> -> memref<1x32x16xf32, #tpu.memory_space<hbm>>
      %dma_wait3A_46 = tpu.memref_squeeze %dma_wait3A_45 : memref<1x32x16xf32, #tpu.memory_space<hbm>> -> memref<32x16xf32, #tpu.memory_space<hbm>>
      %dma_wait3A_47 = arith.constant 0 : i32
      %dma_wait3A_48 = arith.constant 0 : i32
      %dma_wait3A_49 = tpu.memref_slice %arg4[%add3A, %dma_wait3A_47, %dma_wait3A_48] : memref<32x32x16xf32, #tpu.memory_space<hbm>> -> memref<1x32x16xf32, #tpu.memory_space<hbm>>
      %dma_wait3A_50 = tpu.memref_squeeze %dma_wait3A_49 : memref<1x32x16xf32, #tpu.memory_space<hbm>> -> memref<32x16xf32, #tpu.memory_space<hbm>>
      tpu.wait_dma2 semaphore(%run_scoped3A : memref<!tpu.dma_semaphore, #tpu.memory_space<semaphore_mem>>) src(%arg10 : memref<32x16xf32, #tpu.memory_space<vmem>>) dst(%dma_wait3A_50 : memref<32x16xf32, #tpu.memory_space<hbm>>)
      tpu.yield
    }) : () -> ()
    "tpu.region"() ({
      %run_scoped3A = tpu.sem_alloc : memref<!tpu.dma_semaphore, #tpu.memory_space<semaphore_mem>>
      %dma_start3A = arith.constant 0 : i32
      %dma_start3A_37 = arith.constant 0 : i32
      %dma_start3A_38 = tpu.memref_slice %arg5[%add3A, %dma_start3A, %dma_start3A_37] : memref<32x32x16xi32, #tpu.memory_space<hbm>> -> memref<1x32x16xi32, #tpu.memory_space<hbm>>
      %dma_start3A_39 = tpu.memref_squeeze %dma_start3A_38 : memref<1x32x16xi32, #tpu.memory_space<hbm>> -> memref<32x16xi32, #tpu.memory_space<hbm>>
      %dma_start3A_40 = arith.constant 0 : i32
      %dma_start3A_41 = arith.constant 0 : i32
      %dma_start3A_42 = tpu.memref_slice %arg5[%add3A, %dma_start3A_40, %dma_start3A_41] : memref<32x32x16xi32, #tpu.memory_space<hbm>> -> memref<1x32x16xi32, #tpu.memory_space<hbm>>
      %dma_start3A_43 = tpu.memref_squeeze %dma_start3A_42 : memref<1x32x16xi32, #tpu.memory_space<hbm>> -> memref<32x16xi32, #tpu.memory_space<hbm>>
      tpu.enqueue_dma source(%arg11 : memref<32x16xi32, #tpu.memory_space<vmem>>) target(%dma_start3A_43 : memref<32x16xi32, #tpu.memory_space<hbm>>) target_semaphore(%run_scoped3A : memref<!tpu.dma_semaphore, #tpu.memory_space<semaphore_mem>>)
      %dma_wait3A = arith.constant 0 : i32
      %dma_wait3A_44 = arith.constant 0 : i32
      %dma_wait3A_45 = tpu.memref_slice %arg5[%add3A, %dma_wait3A, %dma_wait3A_44] : memref<32x32x16xi32, #tpu.memory_space<hbm>> -> memref<1x32x16xi32, #tpu.memory_space<hbm>>
      %dma_wait3A_46 = tpu.memref_squeeze %dma_wait3A_45 : memref<1x32x16xi32, #tpu.memory_space<hbm>> -> memref<32x16xi32, #tpu.memory_space<hbm>>
      %dma_wait3A_47 = arith.constant 0 : i32
      %dma_wait3A_48 = arith.constant 0 : i32
      %dma_wait3A_49 = tpu.memref_slice %arg5[%add3A, %dma_wait3A_47, %dma_wait3A_48] : memref<32x32x16xi32, #tpu.memory_space<hbm>> -> memref<1x32x16xi32, #tpu.memory_space<hbm>>
      %dma_wait3A_50 = tpu.memref_squeeze %dma_wait3A_49 : memref<1x32x16xi32, #tpu.memory_space<hbm>> -> memref<32x16xi32, #tpu.memory_space<hbm>>
      tpu.wait_dma2 semaphore(%run_scoped3A : memref<!tpu.dma_semaphore, #tpu.memory_space<semaphore_mem>>) src(%arg11 : memref<32x16xi32, #tpu.memory_space<vmem>>) dst(%dma_wait3A_50 : memref<32x16xi32, #tpu.memory_space<hbm>>)
      tpu.yield
    }) : () -> ()
    "tpu.region"() ({
      %run_scoped3A = tpu.sem_alloc : memref<!tpu.dma_semaphore, #tpu.memory_space<semaphore_mem>>
      %dma_start3A = arith.constant 0 : i32
      %dma_start3A_37 = arith.constant 0 : i32
      %dma_start3A_38 = tpu.memref_slice %arg6[%add3A, %dma_start3A, %dma_start3A_37] : memref<32x32x16xf32, #tpu.memory_space<hbm>> -> memref<1x32x16xf32, #tpu.memory_space<hbm>>
      %dma_start3A_39 = tpu.memref_squeeze %dma_start3A_38 : memref<1x32x16xf32, #tpu.memory_space<hbm>> -> memref<32x16xf32, #tpu.memory_space<hbm>>
      %dma_start3A_40 = arith.constant 0 : i32
      %dma_start3A_41 = arith.constant 0 : i32
      %dma_start3A_42 = tpu.memref_slice %arg6[%add3A, %dma_start3A_40, %dma_start3A_41] : memref<32x32x16xf32, #tpu.memory_space<hbm>> -> memref<1x32x16xf32, #tpu.memory_space<hbm>>
      %dma_start3A_43 = tpu.memref_squeeze %dma_start3A_42 : memref<1x32x16xf32, #tpu.memory_space<hbm>> -> memref<32x16xf32, #tpu.memory_space<hbm>>
      tpu.enqueue_dma source(%arg12 : memref<32x16xf32, #tpu.memory_space<vmem>>) target(%dma_start3A_43 : memref<32x16xf32, #tpu.memory_space<hbm>>) target_semaphore(%run_scoped3A : memref<!tpu.dma_semaphore, #tpu.memory_space<semaphore_mem>>)
      %dma_wait3A = arith.constant 0 : i32
      %dma_wait3A_44 = arith.constant 0 : i32
      %dma_wait3A_45 = tpu.memref_slice %arg6[%add3A, %dma_wait3A, %dma_wait3A_44] : memref<32x32x16xf32, #tpu.memory_space<hbm>> -> memref<1x32x16xf32, #tpu.memory_space<hbm>>
      %dma_wait3A_46 = tpu.memref_squeeze %dma_wait3A_45 : memref<1x32x16xf32, #tpu.memory_space<hbm>> -> memref<32x16xf32, #tpu.memory_space<hbm>>
      %dma_wait3A_47 = arith.constant 0 : i32
      %dma_wait3A_48 = arith.constant 0 : i32
      %dma_wait3A_49 = tpu.memref_slice %arg6[%add3A, %dma_wait3A_47, %dma_wait3A_48] : memref<32x32x16xf32, #tpu.memory_space<hbm>> -> memref<1x32x16xf32, #tpu.memory_space<hbm>>
      %dma_wait3A_50 = tpu.memref_squeeze %dma_wait3A_49 : memref<1x32x16xf32, #tpu.memory_space<hbm>> -> memref<32x16xf32, #tpu.memory_space<hbm>>
      tpu.wait_dma2 semaphore(%run_scoped3A : memref<!tpu.dma_semaphore, #tpu.memory_space<semaphore_mem>>) src(%arg12 : memref<32x16xf32, #tpu.memory_space<vmem>>) dst(%dma_wait3A_50 : memref<32x16xf32, #tpu.memory_space<hbm>>)
      tpu.yield
    }) : () -> ()
    "tpu.region"() ({
      %run_scoped3A = tpu.sem_alloc : memref<!tpu.dma_semaphore, #tpu.memory_space<semaphore_mem>>
      %dma_start3A = arith.constant 0 : i32
      %dma_start3A_37 = arith.constant 0 : i32
      %dma_start3A_38 = tpu.memref_slice %arg7[%add3A, %dma_start3A, %dma_start3A_37] : memref<32x32x16xf32, #tpu.memory_space<hbm>> -> memref<1x32x16xf32, #tpu.memory_space<hbm>>
      %dma_start3A_39 = tpu.memref_squeeze %dma_start3A_38 : memref<1x32x16xf32, #tpu.memory_space<hbm>> -> memref<32x16xf32, #tpu.memory_space<hbm>>
      %dma_start3A_40 = arith.constant 0 : i32
      %dma_start3A_41 = arith.constant 0 : i32
      %dma_start3A_42 = tpu.memref_slice %arg7[%add3A, %dma_start3A_40, %dma_start3A_41] : memref<32x32x16xf32, #tpu.memory_space<hbm>> -> memref<1x32x16xf32, #tpu.memory_space<hbm>>
      %dma_start3A_43 = tpu.memref_squeeze %dma_start3A_42 : memref<1x32x16xf32, #tpu.memory_space<hbm>> -> memref<32x16xf32, #tpu.memory_space<hbm>>
      tpu.enqueue_dma source(%arg13 : memref<32x16xf32, #tpu.memory_space<vmem>>) target(%dma_start3A_43 : memref<32x16xf32, #tpu.memory_space<hbm>>) target_semaphore(%run_scoped3A : memref<!tpu.dma_semaphore, #tpu.memory_space<semaphore_mem>>)
      %dma_wait3A = arith.constant 0 : i32
      %dma_wait3A_44 = arith.constant 0 : i32
      %dma_wait3A_45 = tpu.memref_slice %arg7[%add3A, %dma_wait3A, %dma_wait3A_44] : memref<32x32x16xf32, #tpu.memory_space<hbm>> -> memref<1x32x16xf32, #tpu.memory_space<hbm>>
      %dma_wait3A_46 = tpu.memref_squeeze %dma_wait3A_45 : memref<1x32x16xf32, #tpu.memory_space<hbm>> -> memref<32x16xf32, #tpu.memory_space<hbm>>
      %dma_wait3A_47 = arith.constant 0 : i32
      %dma_wait3A_48 = arith.constant 0 : i32
      %dma_wait3A_49 = tpu.memref_slice %arg7[%add3A, %dma_wait3A_47, %dma_wait3A_48] : memref<32x32x16xf32, #tpu.memory_space<hbm>> -> memref<1x32x16xf32, #tpu.memory_space<hbm>>
      %dma_wait3A_50 = tpu.memref_squeeze %dma_wait3A_49 : memref<1x32x16xf32, #tpu.memory_space<hbm>> -> memref<32x16xf32, #tpu.memory_space<hbm>>
      tpu.wait_dma2 semaphore(%run_scoped3A : memref<!tpu.dma_semaphore, #tpu.memory_space<semaphore_mem>>) src(%arg13 : memref<32x16xf32, #tpu.memory_space<vmem>>) dst(%dma_wait3A_50 : memref<32x16xf32, #tpu.memory_space<hbm>>)
      tpu.yield
    }) : () -> ()
    return
  }
}

module attributes {stable_mosaic.version = 14 : i64} {
  func.func @_tc_body(%arg0: i32, %arg1: memref<32x20480xf32, #tpu.memory_space<vmem>>, %arg2: memref<32x20480xf32, #tpu.memory_space<vmem>>, %arg3: memref<32x1xi32, #tpu.memory_space<vmem>>, %arg4: memref<32x1xf32, #tpu.memory_space<vmem>>, %arg5: memref<32x1xf32, #tpu.memory_space<vmem>>, %arg6: memref<32x1xf32, #tpu.memory_space<vmem>>, %arg7: memref<32x1xf32, #tpu.memory_space<vmem>>, %arg8: memref<32x1xi32, #tpu.memory_space<vmem>>, %arg9: memref<32x1xf32, #tpu.memory_space<vmem>>, %arg10: memref<32x1xf32, #tpu.memory_space<vmem>>) attributes {dimension_semantics = [#tpu.dimension_semantics<arbitrary>], iteration_bounds = array<i64: 41>, scalar_prefetch = 0 : i64, scratch_operands = 4 : i64, tpu.core_type = #tpu.core_type<tc>, window_params = [{transform_indices = @transform_0, window_bounds = array<i64: 32, 20480>}, {transform_indices = @transform_1, window_bounds = array<i64: 32, 20480>}, {pipeline_mode = #tpu.pipeline_mode<synchronous>, transform_indices = @transform_2, window_bounds = array<i64: 32, 1>}, {pipeline_mode = #tpu.pipeline_mode<synchronous>, transform_indices = @transform_3, window_bounds = array<i64: 32, 1>}, {pipeline_mode = #tpu.pipeline_mode<synchronous>, transform_indices = @transform_4, window_bounds = array<i64: 32, 1>}, {pipeline_mode = #tpu.pipeline_mode<synchronous>, transform_indices = @transform_5, window_bounds = array<i64: 32, 1>}]} {
    %eq3A = arith.constant 0 : i32
    %eq3A_0 = arith.cmpi eq, %arg0, %eq3A : i32
    %convert_element_type3A = arith.extui %eq3A_0 : i1 to i32
    %cond3A = arith.constant 0 : i32
    %cond3A_1 = arith.cmpi ne, %convert_element_type3A, %cond3A : i32
    scf.if %cond3A_1 {
      %broadcast_in_dim3A_86 = arith.constant -1.000000e+00 : f32
      %broadcast_in_dim3A_87 = vector.broadcast %broadcast_in_dim3A_86 : f32 to vector<32x1xf32>
      %swap3A_88 = arith.constant 0 : index
      %swap3A_89 = arith.constant 0 : index
      %swap3A_90 = vector.load %arg7[%swap3A_88, %swap3A_89] : memref<32x1xf32, #tpu.memory_space<vmem>>, vector<32x1xf32>
      tpu.vector_store %arg7[%swap3A_88, %swap3A_89], %broadcast_in_dim3A_87 {strides = array<i32>} : memref<32x1xf32, #tpu.memory_space<vmem>>, vector<32x1xf32>,
      %broadcast_in_dim3A_91 = arith.constant 0 : i32
      %broadcast_in_dim3A_92 = vector.broadcast %broadcast_in_dim3A_91 : i32 to vector<32x1xi32>
      %swap3A_93 = arith.constant 0 : index
      %swap3A_94 = arith.constant 0 : index
      %swap3A_95 = vector.load %arg8[%swap3A_93, %swap3A_94] : memref<32x1xi32, #tpu.memory_space<vmem>>, vector<32x1xi32>
      tpu.vector_store %arg8[%swap3A_93, %swap3A_94], %broadcast_in_dim3A_92 {strides = array<i32>} : memref<32x1xi32, #tpu.memory_space<vmem>>, vector<32x1xi32>,
      %broadcast_in_dim3A_96 = arith.constant 1.000000e+00 : f32
      %broadcast_in_dim3A_97 = vector.broadcast %broadcast_in_dim3A_96 : f32 to vector<32x1xf32>
      %swap3A_98 = arith.constant 0 : index
      %swap3A_99 = arith.constant 0 : index
      %swap3A_100 = vector.load %arg9[%swap3A_98, %swap3A_99] : memref<32x1xf32, #tpu.memory_space<vmem>>, vector<32x1xf32>
      tpu.vector_store %arg9[%swap3A_98, %swap3A_99], %broadcast_in_dim3A_97 {strides = array<i32>} : memref<32x1xf32, #tpu.memory_space<vmem>>, vector<32x1xf32>,
      %broadcast_in_dim3A_101 = arith.constant 0.000000e+00 : f32
      %broadcast_in_dim3A_102 = vector.broadcast %broadcast_in_dim3A_101 : f32 to vector<32x1xf32>
      %swap3A_103 = arith.constant 0 : index
      %swap3A_104 = arith.constant 0 : index
      %swap3A_105 = vector.load %arg10[%swap3A_103, %swap3A_104] : memref<32x1xf32, #tpu.memory_space<vmem>>, vector<32x1xf32>
      tpu.vector_store %arg10[%swap3A_103, %swap3A_104], %broadcast_in_dim3A_102 {strides = array<i32>} : memref<32x1xf32, #tpu.memory_space<vmem>>, vector<32x1xf32>,
    } else {
    }
    %get3A = arith.constant 0 : index
    %get3A_2 = arith.constant 0 : index
    %get3A_3 = vector.load %arg1[%get3A, %get3A_2] : memref<32x20480xf32, #tpu.memory_space<vmem>>, vector<32x20480xf32>
    %get3A_4 = arith.constant 0 : index
    %get3A_5 = arith.constant 0 : index
    %get3A_6 = vector.load %arg2[%get3A_4, %get3A_5] : memref<32x20480xf32, #tpu.memory_space<vmem>>, vector<32x20480xf32>
    %logistic3A = arith.negf %get3A_3 : vector<32x20480xf32>
    %logistic3A_7 = math.exp %logistic3A : vector<32x20480xf32>
    %logistic3A_8 = arith.constant 1.000000e+00 : f32
    %logistic3A_9 = vector.broadcast %logistic3A_8 : f32 to vector<32x20480xf32>
    %logistic3A_10 = arith.addf %logistic3A_9, %logistic3A_7 : vector<32x20480xf32>
    %logistic3A_11 = arith.divf %logistic3A_9, %logistic3A_10 : vector<32x20480xf32>
    %mul3A = arith.constant 9.990000e-01 : f32
    %mul3A_12 = vector.broadcast %mul3A : f32 to vector<32x20480xf32>
    %mul3A_13 = arith.mulf %logistic3A_11, %mul3A_12 : vector<32x20480xf32>
    %add3A = arith.constant 5.000000e-04 : f32
    %add3A_14 = vector.broadcast %add3A : f32 to vector<32x20480xf32>
    %add3A_15 = arith.addf %mul3A_13, %add3A_14 : vector<32x20480xf32>
    %log3A = math.log %get3A_6 : vector<32x20480xf32>
    %neg3A = arith.constant 0.000000e+00 : f32
    %neg3A_16 = vector.broadcast %neg3A : f32 to vector<32x20480xf32>
    %neg3A_17 = arith.subf %neg3A_16, %log3A : vector<32x20480xf32>
    %div3A = arith.divf %add3A_15, %neg3A_17 : vector<32x20480xf32>
    %iota3A = tpu.iota {dimensions = array<i32: 1>} : vector<32x20480xi32>
    %mul3A_18 = arith.constant 20480 : i32
    %mul3A_19 = arith.muli %arg0, %mul3A_18 : i32
    %add3A_20 = arith.constant 163840 : i32
    %add3A_21 = arith.addi %add3A_20, %mul3A_19 : i32
    %add3A_22 = vector.broadcast %add3A_21 : i32 to vector<32x20480xi32>
    %add3A_23 = arith.addi %iota3A, %add3A_22 : vector<32x20480xi32>
    %lt3A = arith.constant 1000000 : i32
    %lt3A_24 = vector.broadcast %lt3A : i32 to vector<32x20480xi32>
    %lt3A_25 = arith.cmpi slt, %add3A_23, %lt3A_24 : vector<32x20480xi32>
    %jit3A = arith.constant -1.000000e+00 : f32
    %broadcast_in_dim3A = vector.broadcast %jit3A : f32 to vector<32x20480xf32>
    %select_n3A = arith.select %lt3A_25, %div3A, %broadcast_in_dim3A : vector<32x20480xi1>, vector<32x20480xf32>
    %lt3A_26 = arith.cmpf olt, %get3A_6, %add3A_15 : vector<32x20480xf32>
    %and3A = arith.andi %lt3A_25, %lt3A_26 : vector<32x20480xi1>
    %jit3A_27 = arith.constant 1.000000e+00 : f32
    %jit3A_28 = arith.constant 0.000000e+00 : f32
    %broadcast_in_dim3A_29 = vector.broadcast %jit3A_27 : f32 to vector<32x20480xf32>
    %broadcast_in_dim3A_30 = vector.broadcast %jit3A_28 : f32 to vector<32x20480xf32>
    %select_n3A_31 = arith.select %and3A, %broadcast_in_dim3A_29, %broadcast_in_dim3A_30 : vector<32x20480xi1>, vector<32x20480xf32>
    %reduce_max3A = arith.constant dense<0xFF800000> : vector<32xf32>
    %reduce_max3A_32 = vector.multi_reduction <maximumf>, %select_n3A, %reduce_max3A [1] : vector<32x20480xf32> to vector<32xf32>
    %broadcast_in_dim3A_33 = vector.shape_cast %reduce_max3A_32 : vector<32xf32> to vector<32x1xf32>
    %eq3A_34 = vector.broadcast %broadcast_in_dim3A_33 : vector<32x1xf32> to vector<32x20480xf32>
    %eq3A_35 = arith.cmpf oeq, %select_n3A, %eq3A_34 : vector<32x20480xf32>
    %jit3A_36 = arith.constant 1000000 : i32
    %broadcast_in_dim3A_37 = vector.broadcast %jit3A_36 : i32 to vector<32x20480xi32>
    %select_n3A_38 = arith.select %eq3A_35, %add3A_23, %broadcast_in_dim3A_37 : vector<32x20480xi1>, vector<32x20480xi32>
    %reduce_min3A = arith.constant dense<2147483647> : vector<32xi32>
    %reduce_min3A_39 = vector.multi_reduction <minsi>, %select_n3A_38, %reduce_min3A [1] : vector<32x20480xi32> to vector<32xi32>
    %broadcast_in_dim3A_40 = vector.shape_cast %reduce_min3A_39 : vector<32xi32> to vector<32x1xi32>
    %eq3A_41 = vector.broadcast %broadcast_in_dim3A_40 : vector<32x1xi32> to vector<32x20480xi32>
    %eq3A_42 = arith.cmpi eq, %add3A_23, %eq3A_41 : vector<32x20480xi32>
    %jit3A_43 = arith.constant -1.000000e+00 : f32
    %broadcast_in_dim3A_44 = vector.broadcast %jit3A_43 : f32 to vector<32x20480xf32>
    %select_n3A_45 = arith.select %eq3A_42, %add3A_15, %broadcast_in_dim3A_44 : vector<32x20480xi1>, vector<32x20480xf32>
    %reduce_max3A_46 = arith.constant dense<0xFF800000> : vector<32xf32>
    %reduce_max3A_47 = vector.multi_reduction <maximumf>, %select_n3A_45, %reduce_max3A_46 [1] : vector<32x20480xf32> to vector<32xf32>
    %broadcast_in_dim3A_48 = vector.shape_cast %reduce_max3A_47 : vector<32xf32> to vector<32x1xf32>
    %reduce_sum3A = arith.constant dense<0.000000e+00> : vector<32xf32>
    %reduce_sum3A_49 = vector.multi_reduction <add>, %select_n3A_31, %reduce_sum3A [1] : vector<32x20480xf32> to vector<32xf32>
    %broadcast_in_dim3A_50 = vector.shape_cast %reduce_sum3A_49 : vector<32xf32> to vector<32x1xf32>
    %get3A_51 = arith.constant 0 : index
    %get3A_52 = arith.constant 0 : index
    %get3A_53 = vector.load %arg7[%get3A_51, %get3A_52] : memref<32x1xf32, #tpu.memory_space<vmem>>, vector<32x1xf32>
    %gt3A = arith.cmpf ogt, %broadcast_in_dim3A_33, %get3A_53 : vector<32x1xf32>
    %get3A_54 = arith.constant 0 : index
    %get3A_55 = arith.constant 0 : index
    %get3A_56 = vector.load %arg8[%get3A_54, %get3A_55] : memref<32x1xi32, #tpu.memory_space<vmem>>, vector<32x1xi32>
    %select_n3A_57 = arith.select %gt3A, %broadcast_in_dim3A_40, %get3A_56 : vector<32x1xi1>, vector<32x1xi32>
    %swap3A = arith.constant 0 : index
    %swap3A_58 = arith.constant 0 : index
    %swap3A_59 = vector.load %arg8[%swap3A, %swap3A_58] : memref<32x1xi32, #tpu.memory_space<vmem>>, vector<32x1xi32>
    tpu.vector_store %arg8[%swap3A, %swap3A_58], %select_n3A_57 {strides = array<i32>} : memref<32x1xi32, #tpu.memory_space<vmem>>, vector<32x1xi32>,
    %get3A_60 = arith.constant 0 : index
    %get3A_61 = arith.constant 0 : index
    %get3A_62 = vector.load %arg9[%get3A_60, %get3A_61] : memref<32x1xf32, #tpu.memory_space<vmem>>, vector<32x1xf32>
    %select_n3A_63 = arith.select %gt3A, %broadcast_in_dim3A_48, %get3A_62 : vector<32x1xi1>, vector<32x1xf32>
    %swap3A_64 = arith.constant 0 : index
    %swap3A_65 = arith.constant 0 : index
    %swap3A_66 = vector.load %arg9[%swap3A_64, %swap3A_65] : memref<32x1xf32, #tpu.memory_space<vmem>>, vector<32x1xf32>
    tpu.vector_store %arg9[%swap3A_64, %swap3A_65], %select_n3A_63 {strides = array<i32>} : memref<32x1xf32, #tpu.memory_space<vmem>>, vector<32x1xf32>,
    %get3A_67 = arith.constant 0 : index
    %get3A_68 = arith.constant 0 : index
    %get3A_69 = vector.load %arg7[%get3A_67, %get3A_68] : memref<32x1xf32, #tpu.memory_space<vmem>>, vector<32x1xf32>
    %select_n3A_70 = arith.select %gt3A, %broadcast_in_dim3A_33, %get3A_69 : vector<32x1xi1>, vector<32x1xf32>
    %swap3A_71 = arith.constant 0 : index
    %swap3A_72 = arith.constant 0 : index
    %swap3A_73 = vector.load %arg7[%swap3A_71, %swap3A_72] : memref<32x1xf32, #tpu.memory_space<vmem>>, vector<32x1xf32>
    tpu.vector_store %arg7[%swap3A_71, %swap3A_72], %select_n3A_70 {strides = array<i32>} : memref<32x1xf32, #tpu.memory_space<vmem>>, vector<32x1xf32>,
    %get3A_74 = arith.constant 0 : index
    %get3A_75 = arith.constant 0 : index
    %get3A_76 = vector.load %arg10[%get3A_74, %get3A_75] : memref<32x1xf32, #tpu.memory_space<vmem>>, vector<32x1xf32>
    %add3A_77 = arith.addf %get3A_76, %broadcast_in_dim3A_50 : vector<32x1xf32>
    %swap3A_78 = arith.constant 0 : index
    %swap3A_79 = arith.constant 0 : index
    %swap3A_80 = vector.load %arg10[%swap3A_78, %swap3A_79] : memref<32x1xf32, #tpu.memory_space<vmem>>, vector<32x1xf32>
    tpu.vector_store %arg10[%swap3A_78, %swap3A_79], %add3A_77 {strides = array<i32>} : memref<32x1xf32, #tpu.memory_space<vmem>>, vector<32x1xf32>,
    %eq3A_81 = arith.constant 40 : i32
    %eq3A_82 = arith.cmpi eq, %arg0, %eq3A_81 : i32
    %convert_element_type3A_83 = arith.extui %eq3A_82 : i1 to i32
    %cond3A_84 = arith.constant 0 : i32
    %cond3A_85 = arith.cmpi ne, %convert_element_type3A_83, %cond3A_84 : i32
    scf.if %cond3A_85 {
      %get3A_86 = arith.constant 0 : index
      %get3A_87 = arith.constant 0 : index
      %get3A_88 = vector.load %arg8[%get3A_86, %get3A_87] : memref<32x1xi32, #tpu.memory_space<vmem>>, vector<32x1xi32>
      %swap3A_89 = arith.constant 0 : index
      %swap3A_90 = arith.constant 0 : index
      %swap3A_91 = vector.load %arg3[%swap3A_89, %swap3A_90] : memref<32x1xi32, #tpu.memory_space<vmem>>, vector<32x1xi32>
      tpu.vector_store %arg3[%swap3A_89, %swap3A_90], %get3A_88 {strides = array<i32>} : memref<32x1xi32, #tpu.memory_space<vmem>>, vector<32x1xi32>,
      %get3A_92 = arith.constant 0 : index
      %get3A_93 = arith.constant 0 : index
      %get3A_94 = vector.load %arg9[%get3A_92, %get3A_93] : memref<32x1xf32, #tpu.memory_space<vmem>>, vector<32x1xf32>
      %log3A_95 = math.log %get3A_94 : vector<32x1xf32>
      %swap3A_96 = arith.constant 0 : index
      %swap3A_97 = arith.constant 0 : index
      %swap3A_98 = vector.load %arg4[%swap3A_96, %swap3A_97] : memref<32x1xf32, #tpu.memory_space<vmem>>, vector<32x1xf32>
      tpu.vector_store %arg4[%swap3A_96, %swap3A_97], %log3A_95 {strides = array<i32>} : memref<32x1xf32, #tpu.memory_space<vmem>>, vector<32x1xf32>,
      %get3A_99 = arith.constant 0 : index
      %get3A_100 = arith.constant 0 : index
      %get3A_101 = vector.load %arg10[%get3A_99, %get3A_100] : memref<32x1xf32, #tpu.memory_space<vmem>>, vector<32x1xf32>
      %swap3A_102 = arith.constant 0 : index
      %swap3A_103 = arith.constant 0 : index
      %swap3A_104 = vector.load %arg5[%swap3A_102, %swap3A_103] : memref<32x1xf32, #tpu.memory_space<vmem>>, vector<32x1xf32>
      tpu.vector_store %arg5[%swap3A_102, %swap3A_103], %get3A_101 {strides = array<i32>} : memref<32x1xf32, #tpu.memory_space<vmem>>, vector<32x1xf32>,
      %get3A_105 = arith.constant 0 : index
      %get3A_106 = arith.constant 0 : index
      %get3A_107 = vector.load %arg7[%get3A_105, %get3A_106] : memref<32x1xf32, #tpu.memory_space<vmem>>, vector<32x1xf32>
      %swap3A_108 = arith.constant 0 : index
      %swap3A_109 = arith.constant 0 : index
      %swap3A_110 = vector.load %arg6[%swap3A_108, %swap3A_109] : memref<32x1xf32, #tpu.memory_space<vmem>>, vector<32x1xf32>
      tpu.vector_store %arg6[%swap3A_108, %swap3A_109], %get3A_107 {strides = array<i32>} : memref<32x1xf32, #tpu.memory_space<vmem>>, vector<32x1xf32>,
    } else {
    }
    return
  }
  func.func @transform_0(%arg0: i32) -> (i32, i32) {
    %add3A = arith.constant 8 : i32
    %add3A_0 = arith.addi %arg0, %add3A : i32
    %c0_i32 = arith.constant 0 : i32
    %c0_i32_1 = arith.constant 0 : i32
    return %c0_i32, %add3A_0 : i32, i32
  }
  func.func @transform_1(%arg0: i32) -> (i32, i32) {
    %add3A = arith.constant 8 : i32
    %add3A_0 = arith.addi %arg0, %add3A : i32
    %c0_i32 = arith.constant 0 : i32
    %c0_i32_1 = arith.constant 0 : i32
    return %c0_i32, %add3A_0 : i32, i32
  }
  func.func @transform_2(%arg0: i32) -> (i32, i32) {
    %c0_i32 = arith.constant 0 : i32
    %c0_i32_0 = arith.constant 0 : i32
    %c0_i32_1 = arith.constant 0 : i32
    return %c0_i32, %c0_i32_0 : i32, i32
  }
  func.func @transform_3(%arg0: i32) -> (i32, i32) {
    %c0_i32 = arith.constant 0 : i32
    %c0_i32_0 = arith.constant 0 : i32
    %c0_i32_1 = arith.constant 0 : i32
    return %c0_i32, %c0_i32_0 : i32, i32
  }
  func.func @transform_4(%arg0: i32) -> (i32, i32) {
    %c0_i32 = arith.constant 0 : i32
    %c0_i32_0 = arith.constant 0 : i32
    %c0_i32_1 = arith.constant 0 : i32
    return %c0_i32, %c0_i32_0 : i32, i32
  }
  func.func @transform_5(%arg0: i32) -> (i32, i32) {
    %c0_i32 = arith.constant 0 : i32
    %c0_i32_0 = arith.constant 0 : i32
    %c0_i32_1 = arith.constant 0 : i32
    return %c0_i32, %c0_i32_0 : i32, i32
  }
}

</mosaic_0001>

<sc_bundles>
// kernel: kernel.4.cloned.1.call-start
scs
__scs_entry_jumppad:
0x0: {  	(pc) =	sbr.rel $0x88, $3  }
0x1: {  	(tag) =	ssettag $0x0;
	lr =	simm.s32 $0x1  }
0x2: {  	[smem:$0x3F9F] =	sst lr;
	_ =	strace $0xD0000000  }
0x3: {  	_ = 	snop  }
0x4: {  	_ = 	snop  }
0x5: {  	_ = 	snop  }
0x6: {  	_ = 	snop  }
0x7: {  	_ = 	snop  }
__scs_overlays_trampoline_lowered:
0x8: {  	[smem:$0x3FAE] =	sst s0  }
0x9: {  	[smem:$0x3FAF] =	sst s1  }
0xa: {  	[smem:$0x3FB0] =	sst s2  }
0xb: {  	[smem:$0x3FB1] =	sst s3  }
0xc: {  	[smem:$0x3FB2] =	sst s4  }
0xd: {  	[smem:$0x3FB3] =	sst s5  }
0xe: {  	[smem:$0x3FB4] =	sst s6  }
0xf: {  	[smem:$0x3FB5] =	sst s7  }
0x10: {  	[smem:$0x3FB6] =	sst s8  }
0x11: {  	[smem:$0x3FB7] =	sst s9;
	s0 =	simm.s32 @!p0 $0x0  }
0x12: {  	s1 =	sld [smem:$0x3F9D];
	s0 =	simm.s32 @p0 $0x1  }
0x13: {  	[smem:$0x3FB8] =	sst s0;
	s0 =	simm.s32 @!p1 $0x0  }
0x14: {  	s2 =	sld [smem:$0x3F9C];
	s0 =	simm.s32 @p1 $0x1  }
0x15: {  	[smem:$0x3FB9] =	sst s0;
	s0 =	simm.s32 @!p2 $0x0  }
0x16: {  	s3 =	sld [smem:$0x3FDB];
	s0 =	simm.s32 @p2 $0x1  }
0x17: {  	s4 =	simm.s32 $0x1BF5;
	[smem:$0x3FBB] =	sst s0  }
0x18: {  	s0 =	sld [smem:$0x3F9E];
	_ =	swait.ge [sflag:s4], $0x0  }
0x19: {  	s7 =	sld [smem:$0x3F9F]  }
0x1a: {  	s8 =	sadd.s32 $0xFFFFE003, lr  }
0x1b: {  	s9 =	sadd.s32 $0xFFFFFEF7, lr;
	s5 =	simm.s32 $0xFFFFFFFF;
	p2 =	slt.u32 s8, $0xFFFFF086  }
0x1c: {  	p1 =	slt.u32 s9, $0xF7A;
	s5 =	simm.s32 @!p2 $0x0  }
0x1d: {  	s5 =	simm.s32 @p1 $0x1;
	p0 =	seq.s32 s7, s2  }
0x1e: {  	s7 =	smul.u32 @!p0 $0xF7A, s2;
	p2 =	seq.s32 @!p0 s5, $0x0  }
0x1f: {  	s9 =	smul.u32 $0xF7A, s1;
	s8 =	simm.s32 @!p0 $0x1BF5;
	p2 =	por !p2, p0  }
0x20: {  	[sflag:s8] =	ssyncset.s32 @!p0 $0xFFFFF086;
	s6 =	sadd.s32 @!p0 s3, s7;
	s7 =	simm.s32 @!p0 $0x108  }
0x21: {  	s3 =	sadd.s32 s3, s9;
	s6 =	sadd.s32 @!p0 $0x88, s6;
	s7 =	simm.s32 @p2 $0x1082  }
0x22: {  	[simem:s7], [sflag:s8] =	dma.local @!p0 [hbm:s6], $0xF7A  }
0x23: {  	s9 =	sor.u32 $0xD0000000, s2;
	s6 =	simm.s32 $0x108;
	_ =	swait.ge @!p0 [sflag:s8], $0x0  }
0x24: {  	s3 =	sadd.s32 $0x88, s3;
	s6 =	simm.s32 @!p1 $0x1082;
	[sflag:s4] =	ssyncset.s32 $0xFFFFF086  }
0x25: {  	[simem:s6], [sflag:s4] =	dma.local [hbm:s3], $0xF7A  }
0x26: {  	[smem:$0x3F9F] =	sst s1;
	(tag) =	ssettag s2;
	_ =	strace s9  }
0x27: {  	s1 =	sld [smem:$0x3FAF]  }
0x28: {  	s2 =	sld [smem:$0x3FB0]  }
0x29: {  	s4 =	sld [smem:$0x3FB2]  }
0x2a: {  	p0 =	seq.s32 s5, $0x0;
	s5 =	sld [smem:$0x3FB3]  }
0x2b: {  	s6 =	sld [smem:$0x3FB4]  }
0x2c: {  	s7 =	sld [smem:$0x3FB5]  }
0x2d: {  	s3 =	simm.s32 $0x108;
	s8 =	sld [smem:$0x3FB6]  }
0x2e: {  	s3 =	simm.s32 @!p0 $0x1082;
	s9 =	sld [smem:$0x3FB7]  }
0x2f: {  	lr =	sadd.s32 s0, s3;
	s0 =	sld [smem:$0x3FAE]  }
0x30: {  	s3 =	sld [smem:$0x3FB1]  }
0x31: {  	[smem:$0x3FBA] =	sst s10  }
0x32: {  	s10 =	sld [smem:$0x3FB8];
	_ =	sdelay $0x3  }
0x33: {  	p0 =	seq.s32 s10, $0x1;
	s10 =	sld [smem:$0x3FBA];
	_ =	sdelay $0x3  }
0x34: {  	[smem:$0x3FBA] =	sst s10  }
0x35: {  	s10 =	sld [smem:$0x3FB9];
	_ =	sdelay $0x3  }
0x36: {  	p1 =	seq.s32 s10, $0x1;
	s10 =	sld [smem:$0x3FBA];
	_ =	sdelay $0x3  }
0x37: {  	[smem:$0x3FBA] =	sst s10  }
0x38: {  	s10 =	sld [smem:$0x3FBB]  }
0x39: {  	_ = 	snop;
	(pc) =	sbr.ind lr, $3  }
0x3a: {  	_ = 	snop  }
0x3b: {  	_ = 	snop  }
0x3c: {  	p2 =	seq.s32 s10, $0x1;
	s10 =	sld [smem:$0x3FBA]  }
0x3d: {  	_ =	shalt  }
0x3e: {  	_ =	shalt  }
0x3f: {  	_ =	shalt  }
0x40: {  	_ =	shalt  }
0x41: {  	_ =	shalt  }
0x42: {  	_ =	shalt  }
0x43: {  	_ =	shalt  }
0x44: {  	_ =	shalt  }
0x45: {  	_ =	shalt  }
0x46: {  	_ =	shalt  }
0x47: {  	_ =	shalt  }
0x48: {  	_ =	shalt  }
0x49: {  	_ =	shalt  }
0x4a: {  	_ =	shalt  }
0x4b: {  	_ =	shalt  }
0x4c: {  	_ =	shalt  }
0x4d: {  	_ =	shalt  }
0x4e: {  	_ =	shalt  }
0x4f: {  	_ =	shalt  }
0x50: {  	_ =	shalt  }
0x51: {  	_ =	shalt  }
0x52: {  	_ =	shalt  }
0x53: {  	_ =	shalt  }
0x54: {  	_ =	shalt  }
0x55: {  	_ =	shalt  }
0x56: {  	_ =	shalt  }
0x57: {  	_ =	shalt  }
0x58: {  	_ =	shalt  }
0x59: {  	_ =	shalt  }
0x5a: {  	_ =	shalt  }
0x5b: {  	_ =	shalt  }
0x5c: {  	_ =	shalt  }
0x5d: {  	_ =	shalt  }
0x5e: {  	_ =	shalt  }
0x5f: {  	_ =	shalt  }
0x60: {  	_ =	shalt  }
0x61: {  	_ =	shalt  }
0x62: {  	_ =	shalt  }
0x63: {  	_ =	shalt  }
0x64: {  	_ =	shalt  }
0x65: {  	_ =	shalt  }
0x66: {  	_ =	shalt  }
0x67: {  	_ =	shalt  }
0x68: {  	_ =	shalt  }
0x69: {  	_ =	shalt  }
0x6a: {  	_ =	shalt  }
0x6b: {  	_ =	shalt  }
0x6c: {  	_ =	shalt  }
0x6d: {  	_ =	shalt  }
0x6e: {  	_ =	shalt  }
0x6f: {  	_ =	shalt  }
0x70: {  	_ =	shalt  }
0x71: {  	_ =	shalt  }
0x72: {  	_ =	shalt  }
0x73: {  	_ =	shalt  }
0x74: {  	_ =	shalt  }
0x75: {  	_ =	shalt  }
0x76: {  	_ =	shalt  }
0x77: {  	_ =	shalt  }
0x78: {  	_ =	shalt  }
0x79: {  	_ =	shalt  }
0x7a: {  	_ =	shalt  }
0x7b: {  	_ =	shalt  }
0x7c: {  	_ =	shalt  }
0x7d: {  	_ =	shalt  }
0x7e: {  	_ =	shalt  }
0x7f: {  	_ =	shalt  }
0x80: {  	_ =	shalt  }
0x81: {  	_ =	shalt  }
0x82: {  	_ =	shalt  }
0x83: {  	_ =	shalt  }
0x84: {  	_ =	shalt  }
0x85: {  	_ =	shalt  }
0x86: {  	_ =	shalt  }
0x87: {  	_ =	shalt  }
.Lfunc_end0:
.L_simem_size_0:
called_computation_lowered:
.L_overlay_start_0:
0x88: {  	s2 =	sld [smem:$0x3FD9]  }
0x89: {  	s3 =	sld [smem:$0x3FFE];
	_ =	sdelay $0x1  }
0x8a: {  	s1 =	srdreg.scid  }
0x8b: {  	s0 =	sand.u32 $0x1, s1  }
0x8c: {  	s17 =	sshll.u32 s0, $0xA;
	s2 =	sadd.s32 s3, s2  }
0x8d: {  	s2 =	sadd.s32 s2, s17  }
0x8e: {  	[smem:$0x3FC6] =	sst s2  }
0x8f: {  	_ = 	snop  }
0x90: {  	s2 =	sld [smem:$0x3FC9]  }
0x91: {  	s18 =	sld [smem:$0x3FC8];
	(tm) =	ssettm $0x1  }
0x92: {  	s4 =	sld [smem:$0x3FFB];
	_ =	sdelay $0x3  }
0x93: {  	_ =	strace s4  }
0x94: {  	s4 =	sld [smem:$0x3FFC];
	_ =	sdelay $0x3  }
0x95: {  	_ =	strace s4  }
0x96: {  	s4 =	sld [smem:$0x3FFD];
	_ =	sdelay $0x3  }
0x97: {  	_ =	strace s4  }
0x98: {  	_ =	strace $0x8FFFFFFF  }
0x99: {  	s19 =	sld [smem:$0x3FDB];
	_ =	sdelay $0x1  }
0x9a: {  	s5 =	simm.s32 $_scs_section_size  }
0x9b: {  	s6 =	simm.s32 $_size__tile_overlayer_lowered;
	s7 =	simm.s32 $_tile_overlayer_lowered  }
0x9c: {  	s22 =	simm.s32 $0x1BFF;
	s21 =	sshll.u32 s7, $0x1;
	s4 =	sadd.s32 s5, s19  }
0x9d: {  	s8 =	simm.s32 $0x0;
	s20 =	sshll.u32 s6, $0x1;
	s6 =	sadd.s32 s21, s4  }
0x9e: {  	[timem:s8], [sflag:s22] =	dma.local [hbm:s6], s20  }
0x9f: {  	_ =	swait.ge [sflag:s22], s20  }
0xa0: {  	s5 =	ssub.s32 $0x0, s20;
	[sflag:s22] =	ssyncset.done $0x0  }
0xa1: {  	[sflag:s22] =	ssyncadd.s32 s5;
	_ =	sdelay $0x1  }
0xa2: {  	s23 =	simm.s32 $0x1B8B  }
0xa3: {  	_ =	swait.ge [sflag:s23], $0x1  }
0xa4: {  	[sflag:s23] =	ssyncset.done $0x0  }
0xa5: {  	s25 =	simm.s32 $0x1B8E;
	s24 =	sld [smem:$0x3FFE];
	[sflag:s23] =	ssyncadd.s32 $0xFFFFFFFF  }
0xa6: {  	s26 =	simm.s32 $execute0_lowered;
	[smem:$0x3FD2] =	sst s25  }
0xa7: {  	s6 =	sshll.u32 s26, $0x1;
	_ =	strace $0x80000046;
	[dreg:$0x1] =	wrdreg $0xFFFFFFFF  }
0xa8: {  	s28 =	simm.s32 $_size_execute0_lowered;
	s4 =	sadd.s32 s4, s6;
	[dreg:$0x0] =	wrdreg $0x0  }
0xa9: {  	s6 =	sshll.u32 s28, $0x1;
	[dreg:$0x2] =	wrdreg s4  }
0xaa: {  	[dreg:$0x3] =	wrdreg s6  }
0xab: {  	[dreg:$0x4] =	wrdreg $0xC0  }
0xac: {  	_ =	task [dreg:s8], $0x5FFFF  }
0xad: {  	[dreg:$0x1] =	wrdreg $0xFFFFFFFF  }
0xae: {  	[dreg:$0x0] =	wrdreg $0x60  }
0xaf: {  	[dreg:$0x2] =	wrdreg s2  }
0xb0: {  	[dreg:$0x3] =	wrdreg s18  }
0xb1: {  	[dreg:$0x4] =	wrdreg s24  }
0xb2: {  	[dreg:$0x5] =	wrdreg $0x9  }
0xb3: {  	_ =	task.clear_ibuf [dreg:s8], $0x6FFFF;
	_ =	strace $0x90000046  }
0xb4: {  	s29 =	simm.s32 $0x9;
	_ =	strace $0x80000048  }
0xb5: {  	_ =	swait.ge [sflag:s29], $0x1  }
0xb6: {  	[sflag:s29] =	ssyncadd.s32 $0xFFFFFFFF  }
0xb7: {  	_ =	strace $0x90000048  }
0xb8: {  	_ =	sfence  }
0xb9: {  	s30 =	sld [smem:$0x0];
	_ =	sdelay $0x2  }
0xba: {  	s31 =	sshll.u32 s1, $0xD;
	s1 =	sshrl.u32 s1, $0x2  }
0xbb: {  	s3 =	sand.u32 $0x4000, s31;
	s1 =	sadd.s32 s1, s30  }
0xbc: {  	s0 =	sor.u32 s3, s0;
	s1 =	sshll.u32 s1, $0x11  }
0xbd: {  	s0 =	sor.u32 s1, s0  }
0xbe: {  	s0 =	sadd.s32 $0x8F2B, s0  }
0xbf: {  	[sflag:s0] =	ssyncadd.remote.s32 $0x1  }
0xc0: {  	_ =	sfence.sel $0xFFFF  }
0xc1: {  	[dreg:$0x0] =	wrdreg $0xFFFFFFFF;
	(pc) =	sbr.abs _section_cstart, $3  }
0xc2: {  	[dreg:$0x1] =	wrdreg $0xFFFFFFFF  }
0xc3: {  	_ =	task.clear_ibuf [dreg:s8], $0x2FFFF;
	_ =	strace $0x9FFFFFFF  }
0xc4: {  	(tm) =	ssettm $0x7FFFFFFF  }
0xc5: {  	_ =	shalt  }
tec
execute0_lowered:
.L_overlay_start_1:
0x0: {  	(tag) =	ssettag $0x1  }
0x1: {  	s1 =	rddreg [dreg:$0x0]  }
0x2: {  	s2 =	rddreg [dreg:$0x1]  }
0x3: {  	s0 =	rddreg [dreg:$0x2];
	s4 =	simm.s32 $0x0;
	s3 =	srdreg.scid  }
0x4: {  	s9 =	stileid.u32;
	s12 =	simm.s32 $0x2800;
	s13 =	simm.s32 $0x7A1400  }
0x5: {  	s3 =	sand.u32 $0x1, s3;
	s5 =	sshll.u32 s9, $0x1;
	s11 =	smul.u32 $0x2800, s9  }
0x6: {  	s14 =	simm.s32 $0x1;
	s7 =	sor.u32 s3, s5;
	s26 =	smul.u32 $0x1400, s3  }
0x7: {  	s15 =	simm.s32 $0xA000;
	[smem:$0x7FF] =	sst s4;
	s8 =	sshll.u32 s7, $0x9  }
0x8: {  	_ =	strace $0x80000047;
	s5 =	sadd.s32 s0, s8;
	s0 =	sadd.s32 s26, s11  }
0x9: {  	s6 =	ssub.s32 $0x2, s3;
	s28 =	sadd.s32 $0x8000, s5;
	[dreg:$0x8] =	wrdreg s0  }
0xa: {  	s25 =	sshrl.u32 s6, $0x1;
	s29 =	sadd.s32 $0x4000, s5;
	[dreg:$0x4] =	wrdreg s28  }
0xb: {  	s10 =	ssub.s32 s6, s25;
	s30 =	sadd.s32 $0xC000, s5;
	[dreg:$0x5] =	wrdreg s29  }
0xc: {  	v0 =	vimm.f32 $-1.000000000e+00;
	v1 =	vimm.s32 $0x0;
	s20 =	simm.s32 $0x0;
	s31 =	smax.u32 s10, $0x1;
	[dreg:$0x6] =	wrdreg s30  }
0xd: {  	v2 =	vimm.f32 $1.000000000e+00;
	v3 =	vimm.f32 $0.0e+00;
	v4 =	vlaneseq.u32;
	s23 =	simm.s32 $0x0;
	s6 =	smul.u32 $0x1400, s7;
	[dreg:$0x7] =	wrdreg s31  }
.LBB2_1:
0xe: {  	[tilespmem:$0x14000] =	vst v0  }
0xf: {  	[tilespmem:$0x14080] =	vst v0  }
0x10: {  	[tilespmem:$0x14100] =	vst v0  }
0x11: {  	[tilespmem:$0x14180] =	vst v0  }
0x12: {  	[tilespmem:$0x14200] =	vst v0  }
0x13: {  	[tilespmem:$0x14280] =	vst v0  }
0x14: {  	[tilespmem:$0x14300] =	vst v0  }
0x15: {  	[tilespmem:$0x14380] =	vst v0  }
0x16: {  	[tilespmem:$0x14400] =	vst v0  }
0x17: {  	[tilespmem:$0x14480] =	vst v0  }
0x18: {  	[tilespmem:$0x14500] =	vst v0  }
0x19: {  	[tilespmem:$0x14580] =	vst v0  }
0x1a: {  	[tilespmem:$0x14600] =	vst v0  }
0x1b: {  	[tilespmem:$0x14680] =	vst v0  }
0x1c: {  	[tilespmem:$0x14700] =	vst v0  }
0x1d: {  	[tilespmem:$0x14780] =	vst v0  }
0x1e: {  	[tilespmem:$0x14800] =	vst v0  }
0x1f: {  	[tilespmem:$0x14880] =	vst v0  }
0x20: {  	[tilespmem:$0x14900] =	vst v0  }
0x21: {  	[tilespmem:$0x14980] =	vst v0  }
0x22: {  	[tilespmem:$0x14A00] =	vst v0  }
0x23: {  	[tilespmem:$0x14A80] =	vst v0  }
0x24: {  	[tilespmem:$0x14B00] =	vst v0  }
0x25: {  	[tilespmem:$0x14B80] =	vst v0  }
0x26: {  	[tilespmem:$0x14C00] =	vst v0  }
0x27: {  	[tilespmem:$0x14C80] =	vst v0  }
0x28: {  	[tilespmem:$0x14D00] =	vst v0  }
0x29: {  	[tilespmem:$0x14D80] =	vst v0  }
0x2a: {  	[tilespmem:$0x14E00] =	vst v0  }
0x2b: {  	[tilespmem:$0x14E80] =	vst v0  }
0x2c: {  	[tilespmem:$0x14F00] =	vst v0  }
0x2d: {  	[tilespmem:$0x14F80] =	vst v0  }
0x2e: {  	[tilespmem:$0x15000] =	vst v1  }
0x2f: {  	[tilespmem:$0x15080] =	vst v1  }
0x30: {  	[tilespmem:$0x15100] =	vst v1  }
0x31: {  	[tilespmem:$0x15180] =	vst v1  }
0x32: {  	[tilespmem:$0x15200] =	vst v1  }
0x33: {  	[tilespmem:$0x15280] =	vst v1  }
0x34: {  	[tilespmem:$0x15300] =	vst v1  }
0x35: {  	[tilespmem:$0x15380] =	vst v1  }
0x36: {  	[tilespmem:$0x15400] =	vst v1  }
0x37: {  	[tilespmem:$0x15480] =	vst v1  }
0x38: {  	[tilespmem:$0x15500] =	vst v1  }
0x39: {  	[tilespmem:$0x15580] =	vst v1  }
0x3a: {  	[tilespmem:$0x15600] =	vst v1  }
0x3b: {  	[tilespmem:$0x15680] =	vst v1  }
0x3c: {  	[tilespmem:$0x15700] =	vst v1  }
0x3d: {  	[tilespmem:$0x15780] =	vst v1  }
0x3e: {  	[tilespmem:$0x15800] =	vst v1  }
0x3f: {  	[tilespmem:$0x15880] =	vst v1  }
0x40: {  	[tilespmem:$0x15900] =	vst v1  }
0x41: {  	[tilespmem:$0x15980] =	vst v1  }
0x42: {  	[tilespmem:$0x15A00] =	vst v1  }
0x43: {  	[tilespmem:$0x15A80] =	vst v1  }
0x44: {  	[tilespmem:$0x15B00] =	vst v1  }
0x45: {  	[tilespmem:$0x15B80] =	vst v1  }
0x46: {  	[tilespmem:$0x15C00] =	vst v1  }
0x47: {  	[tilespmem:$0x15C80] =	vst v1  }
0x48: {  	[tilespmem:$0x15D00] =	vst v1  }
0x49: {  	[tilespmem:$0x15D80] =	vst v1  }
0x4a: {  	[tilespmem:$0x15E00] =	vst v1  }
0x4b: {  	[tilespmem:$0x15E80] =	vst v1  }
0x4c: {  	[tilespmem:$0x15F00] =	vst v1  }
0x4d: {  	[tilespmem:$0x15F80] =	vst v1  }
0x4e: {  	[tilespmem:$0x16000] =	vst v2  }
0x4f: {  	[tilespmem:$0x16080] =	vst v2  }
0x50: {  	[tilespmem:$0x16100] =	vst v2  }
0x51: {  	[tilespmem:$0x16180] =	vst v2  }
0x52: {  	[tilespmem:$0x16200] =	vst v2  }
0x53: {  	[tilespmem:$0x16280] =	vst v2  }
0x54: {  	[tilespmem:$0x16300] =	vst v2  }
0x55: {  	[tilespmem:$0x16380] =	vst v2  }
0x56: {  	[tilespmem:$0x16400] =	vst v2  }
0x57: {  	[tilespmem:$0x16480] =	vst v2  }
0x58: {  	[tilespmem:$0x16500] =	vst v2  }
0x59: {  	[tilespmem:$0x16580] =	vst v2  }
0x5a: {  	[tilespmem:$0x16600] =	vst v2  }
0x5b: {  	[tilespmem:$0x16680] =	vst v2  }
0x5c: {  	[tilespmem:$0x16700] =	vst v2  }
0x5d: {  	[tilespmem:$0x16780] =	vst v2  }
0x5e: {  	[tilespmem:$0x16800] =	vst v2  }
0x5f: {  	[tilespmem:$0x16880] =	vst v2  }
0x60: {  	[tilespmem:$0x16900] =	vst v2  }
0x61: {  	[tilespmem:$0x16980] =	vst v2  }
0x62: {  	[tilespmem:$0x16A00] =	vst v2  }
0x63: {  	[tilespmem:$0x16A80] =	vst v2  }
0x64: {  	[tilespmem:$0x16B00] =	vst v2  }
0x65: {  	[tilespmem:$0x16B80] =	vst v2  }
0x66: {  	[tilespmem:$0x16C00] =	vst v2  }
0x67: {  	[tilespmem:$0x16C80] =	vst v2  }
0x68: {  	[tilespmem:$0x16D00] =	vst v2  }
0x69: {  	[tilespmem:$0x16D80] =	vst v2  }
0x6a: {  	[tilespmem:$0x16E00] =	vst v2  }
0x6b: {  	[tilespmem:$0x16E80] =	vst v2  }
0x6c: {  	[tilespmem:$0x16F00] =	vst v2  }
0x6d: {  	[tilespmem:$0x16F80] =	vst v2  }
0x6e: {  	[tilespmem:$0x17000] =	vst v3  }
0x6f: {  	[tilespmem:$0x17080] =	vst v3  }
0x70: {  	[tilespmem:$0x17100] =	vst v3  }
0x71: {  	[tilespmem:$0x17180] =	vst v3  }
0x72: {  	[tilespmem:$0x17200] =	vst v3  }
0x73: {  	[tilespmem:$0x17280] =	vst v3  }
0x74: {  	[tilespmem:$0x17300] =	vst v3  }
0x75: {  	[tilespmem:$0x17380] =	vst v3  }
0x76: {  	[tilespmem:$0x17400] =	vst v3  }
0x77: {  	[tilespmem:$0x17480] =	vst v3  }
0x78: {  	[tilespmem:$0x17500] =	vst v3  }
0x79: {  	[tilespmem:$0x17580] =	vst v3  }
0x7a: {  	[tilespmem:$0x17600] =	vst v3  }
0x7b: {  	[tilespmem:$0x17680] =	vst v3  }
0x7c: {  	[tilespmem:$0x17700] =	vst v3  }
0x7d: {  	[tilespmem:$0x17780] =	vst v3  }
0x7e: {  	[tilespmem:$0x17800] =	vst v3  }
0x7f: {  	[tilespmem:$0x17880] =	vst v3  }
0x80: {  	[tilespmem:$0x17900] =	vst v3  }
0x81: {  	[tilespmem:$0x17980] =	vst v3  }
0x82: {  	[tilespmem:$0x17A00] =	vst v3  }
0x83: {  	[tilespmem:$0x17A80] =	vst v3  }
0x84: {  	[tilespmem:$0x17B00] =	vst v3  }
0x85: {  	[tilespmem:$0x17B80] =	vst v3  }
0x86: {  	[tilespmem:$0x17C00] =	vst v3  }
0x87: {  	[tilespmem:$0x17C80] =	vst v3  }
0x88: {  	[tilespmem:$0x17D00] =	vst v3  }
0x89: {  	[tilespmem:$0x17D80] =	vst v3  }
0x8a: {  	[tilespmem:$0x17E00] =	vst v3  }
0x8b: {  	[tilespmem:$0x17E80] =	vst v3  }
0x8c: {  	[tilespmem:$0x17F00] =	vst v3  }
0x8d: {  	[tilespmem:$0x17F80] =	vst v3;
	s21 =	rddreg [dreg:$0x8];
	s22 =	simm.s32 $0x0  }
.LBB2_2:
0x8e: {  	s0 =	smul.u32 $0x500, s22;
	_ =	sdelay $0x1  }
0x8f: {  	s0 =	sadd.s32 s6, s0  }
0x90: {  	s3 =	sadd.s32 s1, s0  }
0x91: {  	[tilespmem:s23], [sflag:$0x1] =	stream.strided.gather [hbm4b:s3+s12], $0xA000, s13, s12, $0x38;
	[tilespmem:$0x18000] =	vst v63  }
0x92: {  	_ =	swait.ge [sflag:s14], $0xA000  }
0x93: {  	[sflag:s14] =	ssyncset.done $0x0  }
0x94: {  	s0 =	sadd.s32 s2, s0;
	[sflag:s14] =	ssyncadd.s32 $0xFFFF6000  }
0x95: {  	[tilespmem:s15], [sflag:$0x1] =	stream.strided.gather [hbm4b:s0+s12], $0xA000, s13, s12, $0x38;
	[tilespmem:$0x18000] =	vst v63  }
0x96: {  	_ =	swait.ge [sflag:s14], $0xA000  }
0x97: {  	[sflag:s14] =	ssyncset.done $0x0  }
0x98: {  	s24 =	simm.s32 $0x0;
	[sflag:s14] =	ssyncadd.s32 $0xFFFF6000  }
.LBB2_3:
0x99: {  	s0 =	sshrl.u32 s24, $0x3;
	s25 =	sshll.u32 s24, $0x7;
	s9 =	sand.u32 $0x3C00, s23  }
0x9a: {  	s3 =	simm.s32 $0x20;
	s17 =	simm.s32 $0x0;
	s28 =	smul.u32 $0x2800, s0  }
0x9b: {  	s16 =	simm.s32 $0x10;
	s29 =	sand.u32 $0x380, s25;
	s17 =	sand.u32 $0x40, s17  }
0x9c: {  	s16 =	sand.u32 $0x50, s16;
	s17 =	sor.u32 s17, s29;
	s0 =	sadd.s32 s28, s9  }
0x9d: {  	s3 =	sand.u32 $0x60, s3;
	s16 =	sor.u32 s16, s29;
	s17 =	sor.u32 s0, s17  }
0x9e: {  	s18 =	simm.s32 $0x30;
	s3 =	sor.u32 s3, s29;
	s16 =	sor.u32 s0, s16;
	v15 =	vld [tilespmem:s17+$0xA000]  }
0x9f: {  	s18 =	sand.u32 $0x70, s18;
	s3 =	sor.u32 s0, s3;
	v17 =	vld [tilespmem:s16+$0xA000]  }
0xa0: {  	s18 =	sor.u32 s18, s29;
	v18 =	vld [tilespmem:s3+$0xA000]  }
0xa1: {  	s0 =	sor.u32 s0, s18  }
0xa2: {  	v19 =	vld [tilespmem:s0+$0xA000]  }
0xa3: {  	v6 =	vand.u32 $0x7FFFFF, v15  }
0xa4: {  	vm1 =	vgt.f32 v17, $7.500000000e-01;
	vm0 =	vgt.f32 v15, $7.500000000e-01;
	v6 =	vor.u32 $0x3F800000, v6  }
0xa5: {  	v5 =	vand.u32 $0x7FFFFF, v18;
	v7 =	vand.u32 $0x7FFFFF, v17;
	v13 =	vsel vm0, v15, v6  }
0xa6: {  	vm2 =	vgt.f32 v18, $7.500000000e-01;
	v7 =	vor.u32 $0x3F800000, v7;
	v6 =	vadd.f32 $1.000000000e+00, v13  }
0xa7: {  	v8 =	vld [tilespmem:s0+$0x0];
	v5 =	vor.u32 $0x3F800000, v5;
	v14 =	vsel vm1, v17, v7;
	v7 =	vand.u32 $0x7FFFFF, v19  }
0xa8: {  	v20 =	vld [tilespmem:s3+$0x0];
	v16 =	vsel vm2, v18, v5;
	v9 =	vadd.f32 $1.000000000e+00, v14;
	(erf) = vrcp.f32 v6  }
0xa9: {  	s10 =	simm.s32 $0x200;
	s19 =	sadd.s32 $0x30, s21;
	v23 =	vld [tilespmem:s17+$0x0];
	vm5 =	vgt.f32 v19, $7.500000000e-01;
	v7 =	vor.u32 $0x3F800000, v7;
	v6 =	vadd.f32 $1.000000000e+00, v16  }
0xaa: {  	s11 =	simm.s32 $0x60;
	s9 =	sadd.s32 $0xFFFFFFF0, s19;
	s18 =	sand.u32 $0x3C00, s10;
	v24 =	vsel vm5, v19, v7;
	(erf) = vrcp.f32 v9  }
0xab: {  	s10 =	sadd.s32 $0xFFFFFFE0, s19;
	v10 =	vor.u32 s9, v4;
	s0 =	sand.u32 $0x60, s11;
	s11 =	sadd.s32 $0xFFFFFFD0, s19;
	v11 =	vadd.f32 $1.000000000e+00, v24;
	(erf) = vrcp.f32 v6  }
0xac: {  	v12 =	vor.u32 s10, v4;
	v21 =	vor.u32 s11, v4;
	v25 =	vsub.f32 $0.0e+00, v8  }
0xad: {  	v26 =	vshra.s32 v19, $0x17;
	v27 =	vshra.s32 v18, $0x17;
	(erf) = vrcp.f32 v11  }
0xae: {  	v28 =	vshra.s32 v17, $0x17;
	v20 =	vsub.f32 $0.0e+00, v20;
	v23 =	vsub.f32 $0.0e+00, v23  }
0xaf: {  	v22 =	vld [tilespmem:s16+$0x0];
	v29 =	vshra.s32 v15, $0x17;
	v26 =	vadd.s32 $0xFFFFFF81, v26;
	v27 =	vadd.s32 $0xFFFFFF81, v27  }
0xb0: {  	v28 =	vadd.s32 $0xFFFFFF81, v28;
	v26 =	vcvt.s32.f32 v26;
	v13 =	vadd.f32 $-1.000000000e+00, v13  }
0xb1: {  	s7 =	simm.s32 $0x40;
	v29 =	vadd.s32 $0xFFFFFF81, v29;
	v25 =	vmul.f32 $1.442695020e+00, v25;
	v27 =	vcvt.s32.f32 v27;
	v30 =	vpop (erf)  }
0xb2: {  	s31 =	simm.s32 $0x50;
	s7 =	sand.u32 $0x40, s7;
	v28 =	vcvt.s32.f32 v28;
	v14 =	vadd.f32 $-1.000000000e+00, v14;
	v13 =	vmul.f32 v30, v13  }
0xb3: {  	s8 =	sand.u32 $0x50, s31;
	s7 =	sor.u32 s7, s29;
	v29 =	vcvt.s32.f32 v29;
	v20 =	vmul.f32 $1.442695020e+00, v20;
	v16 =	vadd.f32 $-1.000000000e+00, v16;
	v30 =	vpop (erf)  }
0xb4: {  	s18 =	sadd.s32 s28, s18;
	s3 =	sor.u32 s8, s29;
	s0 =	sor.u32 s0, s29;
	v22 =	vsub.f32 $0.0e+00, v22;
	v14 =	vmul.f32 v30, v14;
	v30 =	vpop (erf);
	v34 =	vmul.f32 v13, v13  }
0xb5: {  	s31 =	sor.u32 s18, s0;
	s0 =	sor.u32 s18, s3;
	s3 =	sor.u32 s18, s7;
	v23 =	vmul.f32 $1.442695020e+00, v23;
	v24 =	vadd.f32 $-1.000000000e+00, v24;
	v16 =	vmul.f32 v30, v16  }
0xb6: {  	v8 =	vld [tilespmem:s3+$0xA000];
	vm4 =	vmmov vm1;
	v36 =	vpop (erf);
	v35 =	vmul.f32 v14, v14;
	v30 =	vmul.f32 $1.111111120e-01, v34  }
0xb7: {  	vm3 =	vmmov vm2;
	v24 =	vmul.f32 v36, v24;
	v37 =	vmul.f32 v16, v16  }
0xb8: {  	v22 =	vmul.f32 $1.442695020e+00, v22;
	v54 =	vmul.f32 $1.111111120e-01, v35;
	v30 =	vadd.f32 $1.428571490e-01, v30  }
0xb9: {  	vm6 =	vmmov vm0;
	v7 =	vld [tilespmem:s31+$0xA000];
	v39 =	vmul.f32 v24, v24;
	v38 =	vmul.f32 $1.111111120e-01, v37  }
0xba: {  	v26 =	vmul.f32 $6.931471820e-01, v26;
	v36 =	vadd.f32 $1.428571490e-01, v54;
	v30 =	vmul.f32 v30, v34  }
0xbb: {  	vm2 =	vgt.f32 v8, $7.500000000e-01;
	v40 =	vmul.f32 $1.111111120e-01, v39;
	v38 =	vadd.f32 $1.428571490e-01, v38  }
0xbc: {  	v33 =	vand.u32 $0x7FFFFF, v8;
	v6 =	vld [tilespmem:s0+$0xA000];
	v36 =	vmul.f32 v36, v35;
	v30 =	vadd.f32 $2.000000030e-01, v30  }
0xbd: {  	v9 =	vor.u32 s19, v4;
	v40 =	vadd.f32 $1.428571490e-01, v40;
	v38 =	vmul.f32 v38, v37  }
0xbe: {  	v31 =	vand.u32 $0x7FFFFF, v7;
	v36 =	vadd.f32 $2.000000030e-01, v36;
	v30 =	vmul.f32 v30, v34  }
0xbf: {  	vm1 =	vgt.f32 v7, $7.500000000e-01;
	v40 =	vmul.f32 v40, v39;
	v38 =	vadd.f32 $2.000000030e-01, v38  }
0xc0: {  	v31 =	vor.u32 $0x3F800000, v31;
	v36 =	vmul.f32 v36, v35;
	v30 =	vadd.f32 $3.333333430e-01, v30  }
0xc1: {  	vm0 =	vgt.f32 v6, $7.500000000e-01;
	v40 =	vadd.f32 $2.000000030e-01, v40;
	v38 =	vmul.f32 v38, v37  }
0xc2: {  	(erf) = vpow2.f32 v23;
	v23 =	vmul.f32 v30, v34;
	v30 =	vadd.f32 $3.333333430e-01, v36  }
0xc3: {  	(erf) = vpow2.f32 v22;
	v56 =	vmul.f32 v40, v39;
	v55 =	vadd.f32 $3.333333430e-01, v38  }
0xc4: {  	(erf) = vpow2.f32 v25;
	v22 =	vadd.f32 $1.000000000e+00, v23;
	v23 =	vmul.f32 v30, v35  }
0xc5: {  	(erf) = vpow2.f32 v20;
	v25 =	vmul.f32 v55, v37;
	v30 =	vadd.f32 $3.333333430e-01, v56  }
0xc6: {  	v13 =	vmul.f32 v22, v13;
	v20 =	vadd.f32 $1.000000000e+00, v23;
	v23 =	vmul.f32 $6.931471820e-01, v29  }
0xc7: {  	v22 =	vmul.f32 $6.931471820e-01, v27;
	v25 =	vadd.f32 $1.000000000e+00, v25;
	v27 =	vmul.f32 v30, v39  }
0xc8: {  	v13 =	vadd.f32 v13, v13;
	v14 =	vmul.f32 v20, v14;
	v23 =	vsel vm6, $0x0, v23  }
0xc9: {  	v20 =	vmul.f32 $6.931471820e-01, v28;
	v16 =	vmul.f32 v25, v16;
	v25 =	vadd.f32 $1.000000000e+00, v27  }
0xca: {  	v32 =	vand.u32 $0x7FFFFF, v6;
	v13 =	vadd.f32 v13, v23;
	v14 =	vadd.f32 v14, v14  }
0xcb: {  	v20 =	vsel vm4, $0x0, v20;
	v16 =	vadd.f32 v16, v16;
	v24 =	vmul.f32 v25, v24;
	v23 =	vpop (erf)  }
0xcc: {  	v32 =	vor.u32 $0x3F800000, v32;
	v30 =	vadd.f32 $1.000000000e+00, v23;
	v14 =	vadd.f32 v14, v20  }
0xcd: {  	v22 =	vsel vm3, $0x0, v22;
	v25 =	vsub.f32 $0.0e+00, v13;
	v27 =	vpop (erf);
	v24 =	vadd.f32 v24, v24  }
0xce: {  	v20 =	vsel vm5, $0x0, v26;
	v26 =	vadd.f32 $1.000000000e+00, v27;
	v28 =	vsub.f32 $0.0e+00, v14  }
0xcf: {  	v16 =	vadd.f32 v16, v22;
	v61 =	vmul.f32 $5.000000240e-04, v23;
	v13 =	vpop (erf);
	v25 =	vmul.f32 v25, v30  }
0xd0: {  	s26 =	simm.s32 $0x70;
	v58 =	vmul.f32 $5.000000240e-04, v27;
	v20 =	vadd.f32 v24, v20;
	v14 =	vpop (erf);
	v24 =	vmul.f32 v28, v26  }
0xd1: {  	s30 =	sand.u32 $0x70, s26;
	v28 =	vsub.f32 $0.0e+00, v16;
	(erf) = vrcp.f32 v25;
	v29 =	vadd.f32 $1.000000000e+00, v14  }
0xd2: {  	s30 =	sor.u32 s30, s29;
	v22 =	vor.u32 $0x3F800000, v33;
	v15 =	vmul.f32 v30, v15;
	v17 =	vmul.f32 v26, v17  }
0xd3: {  	s30 =	sor.u32 s18, s30;
	v16 =	vsel vm1, v7, v31;
	(erf) = vrcp.f32 v24;
	v28 =	vmul.f32 v28, v29  }
0xd4: {  	v5 =	vld [tilespmem:s30+$0xA000];
	v25 =	vmul.f32 $5.000000240e-04, v13;
	v31 =	vadd.f32 $1.000000000e+00, v13;
	v57 =	vsub.f32 $0.0e+00, v20  }
0xd5: {  	v20 =	vsel vm0, v6, v32;
	v59 =	vmul.f32 $5.000000240e-04, v14;
	(erf) = vrcp.f32 v28  }
0xd6: {  	v24 =	vsel vm2, v8, v22;
	v22 =	vmul.f32 v57, v31;
	v18 =	vmul.f32 v29, v18  }
0xd7: {  	v32 =	vadd.f32 $9.994999760e-01, v58;
	v19 =	vmul.f32 v31, v19;
	v31 =	vld [tilespmem:s25+$0x17000];
	v29 =	vadd.f32 $9.994999760e-01, v25  }
0xd8: {  	v60 =	vld [tilespmem:s25+$0x14000];
	v26 =	vadd.f32 $9.994999760e-01, v61;
	v34 =	vadd.f32 $9.994999760e-01, v59;
	(erf) = vrcp.f32 v22  }
0xd9: {  	v62 =	vld [tilespmem:s25+$0x15000];
	v11 =	vand.u32 $0x7FFFFF, v5;
	vm5 =	vlt.f32 v17, v32;
	vm3 =	vlt.f32 v19, v29  }
0xda: {  	v63 =	vld [tilespmem:s25+$0x16000];
	vm4 =	vlt.f32 v18, v34;
	v22 =	vsel vm3, $0x3F800000, v3;
	vm3 =	vlt.f32 v15, v26;
	v18 =	vpop (erf)  }
0xdb: {  	v25 =	vadd.f32 $1.000000000e+00, v24;
	v15 =	vsel vm3, $0x3F800000, v3;
	v18 =	vmul.f32 v18, v26  }
0xdc: {  	v17 =	vsel vm5, $0x3F800000, v3;
	v28 =	vadd.f32 $1.000000000e+00, v20;
	v15 =	vadd.f32 v15, v31;
	v19 =	vpop (erf)  }
0xdd: {  	v26 =	vsel vm4, $0x3F800000, v3;
	vm3 =	vgt.f32 v18, v60;
	v30 =	vmul.f32 v19, v32  }
0xde: {  	v17 =	vadd.f32 v17, v15;
	v31 =	vsel vm3, v18, v60;
	v18 =	vsel vm3, v21, v62;
	v21 =	vpop (erf)  }
0xdf: {  	s16 =	simm.s32 $0x4;
	s17 =	simm.s32 $0x400;
	s18 =	simm.s32 $0xB0;
	v19 =	vsel vm3, v23, v63;
	vm4 =	vgt.f32 v30, v31;
	v15 =	vmul.f32 v21, v34  }
.LBB2_4:
0xe0: {  	v21 =	vsel vm4, v30, v31;
	v12 =	vsel vm4, v12, v18;
	v18 =	vsel vm4, v27, v19  }
0xe1: {  	s7 =	sand.u32 $0x3C00, s17;
	s19 =	sand.u32 $0x70, s18;
	v19 =	vpop (erf);
	vm4 =	vmmov vm0;
	vm3 =	vmmov vm1;
	vm5 =	vmmov vm2  }
0xe2: {  	s7 =	sadd.s32 s28, s7;
	s19 =	sor.u32 s19, s29;
	v17 =	vadd.f32 v26, v17;
	vm0 =	vgt.f32 v15, v21;
	v19 =	vmul.f32 v19, v29  }
0xe3: {  	v26 =	vld [tilespmem:s30+$0x0];
	s30 =	sor.u32 s7, s19;
	v23 =	vsel vm0, v15, v21;
	v10 =	vsel vm0, v10, v12;
	v12 =	vsel vm0, v14, v18  }
0xe4: {  	s8 =	sadd.s32 s26, s21;
	s26 =	smov.u32 s18;
	s19 =	sadd.s32 $0xFFFFFFF0, s18;
	v21 =	vld [tilespmem:s30+$0xA000];
	(erf) = vrcp.f32 v25;
	v15 =	vadd.f32 v22, v17;
	vm0 =	vgt.f32 v19, v23  }
0xe5: {  	s9 =	sadd.s32 $0xFFFFFFD0, s18;
	s10 =	sadd.s32 $0xFFFFFFE0, s18;
	s19 =	sand.u32 $0x60, s19;
	v14 =	vld [tilespmem:s31+$0x0];
	v17 =	vsel vm0, v19, v23;
	v18 =	vsel vm0, v9, v10;
	v19 =	vsel vm0, v13, v12  }
0xe6: {  	vm6 =	vgt.f32 v5, $7.500000000e-01;
	s10 =	sand.u32 $0x50, s10;
	s11 =	sadd.s32 $0xFFFFFFF0, s8;
	s19 =	sor.u32 s19, s29;
	v10 =	vadd.f32 $1.000000000e+00, v16;
	v9 =	vor.u32 $0x3F800000, v11;
	v13 =	vld [tilespmem:s0+$0x0]  }
0xe7: {  	s0 =	sor.u32 s10, s29;
	s31 =	sor.u32 s7, s19;
	v29 =	vsel vm6, v5, v9;
	v27 =	vld [tilespmem:s3+$0x0];
	s3 =	sadd.s32 $0xFFFFFFE0, s8;
	(erf) = vrcp.f32 v28  }
0xe8: {  	s9 =	sand.u32 $0x40, s9;
	s10 =	sadd.s32 $0xFFFFFFD0, s8;
	v9 =	vor.u32 s8, v4;
	s0 =	sor.u32 s7, s0;
	v11 =	vadd.f32 $1.000000000e+00, v29;
	v22 =	vld [tilespmem:s31+$0xA000];
	(erf) = vrcp.f32 v10  }
0xe9: {  	s8 =	sor.u32 s9, s29;
	v23 =	vor.u32 s10, v4;
	v12 =	vor.u32 s3, v4;
	v10 =	vor.u32 s11, v4;
	v25 =	vld [tilespmem:s0+$0xA000]  }
0xea: {  	v30 =	vshra.s32 v5, $0x17;
	s3 =	sor.u32 s7, s8;
	v28 =	vsub.f32 $0.0e+00, v26;
	(erf) = vrcp.f32 v11  }
0xeb: {  	v31 =	vshra.s32 v7, $0x17;
	v30 =	vadd.s32 $0xFFFFFF81, v30;
	v11 =	vand.u32 $0x7FFFFF, v21;
	v26 =	vld [tilespmem:s3+$0xA000]  }
0xec: {  	v32 =	vshra.s32 v6, $0x17;
	v14 =	vsub.f32 $0.0e+00, v14;
	v13 =	vsub.f32 $0.0e+00, v13  }
0xed: {  	v33 =	vshra.s32 v8, $0x17;
	v24 =	vadd.f32 $-1.000000000e+00, v24;
	v27 =	vsub.f32 $0.0e+00, v27;
	v34 =	vpop (erf)  }
0xee: {  	v35 =	vand.u32 $0x7FFFFF, v22;
	vm1 =	vgt.f32 v22, $7.500000000e-01;
	vm0 =	vgt.f32 v25, $7.500000000e-01  }
0xef: {  	v20 =	vadd.f32 $-1.000000000e+00, v20;
	v36 =	vand.u32 $0x7FFFFF, v25;
	v24 =	vmul.f32 v34, v24  }
0xf0: {  	v30 =	vcvt.s32.f32 v30;
	v16 =	vadd.f32 $-1.000000000e+00, v16;
	vm2 =	vgt.f32 v26, $7.500000000e-01;
	v34 =	vpop (erf)  }
0xf1: {  	v37 =	vand.u32 $0x7FFFFF, v26;
	v38 =	vmul.f32 v24, v24;
	v20 =	vmul.f32 v34, v20;
	v34 =	vpop (erf)  }
0xf2: {  	v29 =	vadd.f32 $-1.000000000e+00, v29;
	v28 =	vmul.f32 $1.442695020e+00, v28;
	v16 =	vmul.f32 v34, v16  }
0xf3: {  	v31 =	vadd.s32 $0xFFFFFF81, v31;
	v34 =	vmul.f32 $1.111111120e-01, v38;
	v39 =	vmul.f32 v20, v20;
	v40 =	vpop (erf)  }
0xf4: {  	v32 =	vadd.s32 $0xFFFFFF81, v32;
	v41 =	vmul.f32 v16, v16;
	v29 =	vmul.f32 v40, v29  }
0xf5: {  	v33 =	vadd.s32 $0xFFFFFF81, v33;
	v34 =	vadd.f32 $1.428571490e-01, v34;
	v40 =	vmul.f32 $1.111111120e-01, v39  }
0xf6: {  	v35 =	vor.u32 $0x3F800000, v35;
	v42 =	vmul.f32 $1.111111120e-01, v41;
	v43 =	vmul.f32 v29, v29  }
0xf7: {  	v36 =	vor.u32 $0x3F800000, v36;
	v34 =	vmul.f32 v34, v38;
	v40 =	vadd.f32 $1.428571490e-01, v40  }
0xf8: {  	v31 =	vcvt.s32.f32 v31;
	v42 =	vadd.f32 $1.428571490e-01, v42;
	v44 =	vmul.f32 $1.111111120e-01, v43  }
0xf9: {  	v32 =	vcvt.s32.f32 v32;
	v34 =	vadd.f32 $2.000000030e-01, v34;
	v40 =	vmul.f32 v40, v39  }
0xfa: {  	v33 =	vcvt.s32.f32 v33;
	v42 =	vmul.f32 v42, v41;
	v44 =	vadd.f32 $1.428571490e-01, v44  }
0xfb: {  	v14 =	vmul.f32 $1.442695020e+00, v14;
	v34 =	vmul.f32 v34, v38;
	v40 =	vadd.f32 $2.000000030e-01, v40  }
0xfc: {  	v27 =	vmul.f32 $1.442695020e+00, v27;
	v42 =	vadd.f32 $2.000000030e-01, v42;
	v44 =	vmul.f32 v44, v43  }
0xfd: {  	v13 =	vmul.f32 $1.442695020e+00, v13;
	v34 =	vadd.f32 $3.333333430e-01, v34;
	v40 =	vmul.f32 v40, v39  }
0xfe: {  	v42 =	vmul.f32 v42, v41;
	v44 =	vadd.f32 $2.000000030e-01, v44;
	(erf) = vpow2.f32 v27  }
0xff: {  	v30 =	vmul.f32 $6.931471820e-01, v30;
	v27 =	vmul.f32 v34, v38;
	v34 =	vadd.f32 $3.333333430e-01, v40  }
0x100: {  	v38 =	vadd.f32 $3.333333430e-01, v42;
	v40 =	vmul.f32 v44, v43;
	(erf) = vpow2.f32 v13  }
0x101: {  	v13 =	vadd.f32 $1.000000000e+00, v27;
	v27 =	vmul.f32 v34, v39;
	(erf) = vpow2.f32 v28  }
0x102: {  	v28 =	vmul.f32 v38, v41;
	v34 =	vadd.f32 $3.333333430e-01, v40;
	(erf) = vpow2.f32 v14  }
0x103: {  	v13 =	vmul.f32 v13, v24;
	v24 =	vmul.f32 $6.931471820e-01, v31;
	v14 =	vadd.f32 $1.000000000e+00, v27  }
0x104: {  	v27 =	vmul.f32 $6.931471820e-01, v33;
	v28 =	vadd.f32 $1.000000000e+00, v28;
	v31 =	vmul.f32 v34, v43  }
0x105: {  	v13 =	vadd.f32 v13, v13;
	v14 =	vmul.f32 v14, v20;
	v20 =	vmul.f32 $6.931471820e-01, v32  }
0x106: {  	v27 =	vsel vm5, $0x0, v27;
	v16 =	vmul.f32 v28, v16;
	v28 =	vadd.f32 $1.000000000e+00, v31  }
0x107: {  	v33 =	vadd.f32 v13, v27;
	v14 =	vadd.f32 v14, v14;
	v20 =	vsel vm4, $0x0, v20;
	v32 =	vpop (erf)  }
0x108: {  	v31 =	vadd.f32 $1.000000000e+00, v32;
	v16 =	vadd.f32 v16, v16;
	v28 =	vmul.f32 v28, v29  }
0x109: {  	v29 =	vsub.f32 $0.0e+00, v33;
	v34 =	vadd.f32 v14, v20;
	v20 =	vsel vm6, $0x0, v30;
	v27 =	vpop (erf)  }
0x10a: {  	v24 =	vsel vm3, $0x0, v24;
	v30 =	vadd.f32 $1.000000000e+00, v27;
	v28 =	vadd.f32 v28, v28;
	v13 =	vpop (erf)  }
0x10b: {  	v29 =	vmul.f32 v29, v31;
	v16 =	vadd.f32 v16, v24;
	v33 =	vsub.f32 $0.0e+00, v34;
	v14 =	vpop (erf)  }
0x10c: {  	v24 =	vor.u32 $0x3F800000, v37;
	v34 =	vadd.f32 $1.000000000e+00, v14;
	v20 =	vadd.f32 v28, v20  }
0x10d: {  	v28 =	vmul.f32 v33, v30;
	v33 =	vsub.f32 $0.0e+00, v16;
	(erf) = vrcp.f32 v29  }
0x10e: {  	v16 =	vsel vm1, v22, v35;
	v29 =	vmul.f32 $5.000000240e-04, v13;
	v35 =	vadd.f32 $1.000000000e+00, v13  }
0x10f: {  	v37 =	vsub.f32 $0.0e+00, v20;
	v33 =	vmul.f32 v33, v34;
	(erf) = vrcp.f32 v28  }
0x110: {  	v38 =	vmul.f32 $5.000000240e-04, v14;
	v20 =	vsel vm0, v25, v36;
	v36 =	vmul.f32 $5.000000240e-04, v27  }
0x111: {  	v24 =	vsel vm2, v26, v24;
	v37 =	vmul.f32 v37, v35;
	(erf) = vrcp.f32 v33  }
0x112: {  	s16 =	sadd.s32 $0x4, s16;
	v28 =	vadd.f32 $1.000000000e+00, v20;
	v35 =	vmul.f32 v35, v5;
	v5 =	vmovc v21;
	v33 =	vmul.f32 $5.000000240e-04, v32  }
0x113: {  	p0 =	slt.u32 s16, $0x4C;
	v39 =	vmul.f32 v34, v7;
	v7 =	vmovc v22;
	v29 =	vadd.f32 $9.994999760e-01, v29;
	(erf) = vrcp.f32 v37  }
0x114: {  	v30 =	vmul.f32 v30, v6;
	v6 =	vmovc v25;
	v34 =	vadd.f32 $9.994999760e-01, v36;
	v36 =	vadd.f32 $9.994999760e-01, v38  }
0x115: {  	vm3 =	vlt.f32 v35, v29;
	v33 =	vadd.f32 $9.994999760e-01, v33;
	v37 =	vmul.f32 v31, v8;
	v8 =	vmovc v26  }
0x116: {  	v25 =	vadd.f32 $1.000000000e+00, v24;
	vm4 =	vlt.f32 v39, v36;
	v22 =	vsel vm3, $0x3F800000, v3;
	v21 =	vpop (erf)  }
.Ltmp0:
0x117: {  	vm5 =	vlt.f32 v30, v34;
	vm3 =	vlt.f32 v37, v33;
	v35 =	vmul.f32 v21, v33;
	(pc) =	sbr.rel @p0 .LBB2_4-.Ltmp0, $4  }
0x118: {  	v26 =	vsel vm4, $0x3F800000, v3;
	v30 =	vsel vm3, $0x3F800000, v3;
	v33 =	vsel vm5, $0x3F800000, v3;
	v31 =	vpop (erf)  }
0x119: {  	v15 =	vadd.f32 v30, v15;
	vm3 =	vgt.f32 v35, v17;
	v30 =	vmul.f32 v31, v34  }
0x11a: {  	v31 =	vsel vm3, v35, v17;
	v18 =	vsel vm3, v23, v18;
	v19 =	vsel vm3, v32, v19;
	v21 =	vpop (erf)  }
0x11b: {  	s17 =	sadd.s32 $0x200, s17;
	s18 =	sadd.s32 $0x40, s18;
	v17 =	vadd.f32 v33, v15;
	vm4 =	vgt.f32 v30, v31;
	v15 =	vmul.f32 v21, v36  }
0x11c: {  	(erf) = vrcp.f32 v25;
	_ =	sdelay $0x1  }
0x11d: {  	v11 =	vor.u32 $0x3F800000, v11;
	vm3 =	vgt.f32 v5, $7.500000000e-01  }
0x11e: {  	v21 =	vadd.f32 $1.000000000e+00, v16;
	v23 =	vpop (erf);
	(erf) = vrcp.f32 v28;
	v11 =	vsel vm3, v5, v11  }
0x11f: {  	v39 =	vadd.f32 $1.000000000e+00, v11  }
0x120: {  	(erf) = vrcp.f32 v21  }
0x121: {  	v24 =	vadd.f32 $-1.000000000e+00, v24;
	v40 =	vshra.s32 v8, $0x17;
	v44 =	vld [tilespmem:s3+$0x0];
	(erf) = vrcp.f32 v39  }
0x122: {  	v42 =	vsel vm4, v30, v31;
	v12 =	vsel vm4, v12, v18;
	v18 =	vsel vm4, v27, v19;
	v50 =	vld [tilespmem:s0+$0x0]  }
0x123: {  	vm15 =	vmmov vm0;
	vm1 =	vmmov vm1;
	v53 =	vshra.s32 v5, $0x17  }
0x124: {  	vm5 =	vmmov vm2;
	v46 =	vld [tilespmem:s30+$0x0];
	v20 =	vadd.f32 $-1.000000000e+00, v20;
	v31 =	vadd.s32 $0xFFFFFF81, v53;
	v38 =	vpop (erf)  }
0x125: {  	v47 =	vadd.f32 $-1.000000000e+00, v16;
	v31 =	vcvt.s32.f32 v31;
	v21 =	vmul.f32 v38, v24  }
0x126: {  	v17 =	vadd.f32 v26, v17;
	v23 =	vmul.f32 v23, v29;
	v19 =	vsub.f32 $0.0e+00, v44  }
0x127: {  	v61 =	vmul.f32 $6.931471820e-01, v31;
	v26 =	vsub.f32 $0.0e+00, v50;
	v48 =	vpop (erf);
	v41 =	vmul.f32 v21, v21  }
0x128: {  	v11 =	vadd.f32 $-1.000000000e+00, v11;
	v19 =	vmul.f32 $1.442695020e+00, v19;
	v20 =	vmul.f32 v48, v20  }
0x129: {  	v30 =	vsub.f32 $0.0e+00, v46;
	v26 =	vmul.f32 $1.442695020e+00, v26;
	v49 =	vpop (erf);
	v43 =	vmul.f32 $1.111111120e-01, v41  }
0x12a: {  	v55 =	vshra.s32 v7, $0x17;
	v16 =	vmul.f32 v49, v47;
	v51 =	vmul.f32 v20, v20;
	v52 =	vpop (erf)  }
0x12b: {  	v54 =	vld [tilespmem:s31+$0x0];
	v30 =	vmul.f32 $1.442695020e+00, v30;
	v11 =	vmul.f32 v52, v11;
	v45 =	vadd.f32 $1.428571490e-01, v43  }
0x12c: {  	v56 =	vshra.s32 v6, $0x17;
	v32 =	vmul.f32 v16, v16;
	v33 =	vmul.f32 $1.111111120e-01, v51  }
0x12d: {  	vm6 =	vgt.f32 v15, v42;
	v35 =	vmul.f32 v11, v11;
	v27 =	vmul.f32 v45, v41  }
0x12e: {  	v24 =	vadd.s32 $0xFFFFFF81, v40;
	v34 =	vmul.f32 $1.111111120e-01, v32;
	v33 =	vadd.f32 $1.428571490e-01, v33  }
0x12f: {  	(erf) = vpow2.f32 v19;
	v36 =	vmul.f32 $1.111111120e-01, v35;
	v27 =	vadd.f32 $2.000000030e-01, v27  }
0x130: {  	v19 =	vsub.f32 $0.0e+00, v54;
	v34 =	vadd.f32 $1.428571490e-01, v34;
	v33 =	vmul.f32 v33, v51  }
0x131: {  	v24 =	vcvt.s32.f32 v24;
	v36 =	vadd.f32 $1.428571490e-01, v36;
	v27 =	vmul.f32 v27, v41  }
0x132: {  	(erf) = vpow2.f32 v26;
	v34 =	vmul.f32 v34, v32;
	v33 =	vadd.f32 $2.000000030e-01, v33  }
0x133: {  	v26 =	vadd.s32 $0xFFFFFF81, v56;
	v36 =	vmul.f32 v36, v35;
	v27 =	vadd.f32 $3.333333430e-01, v27  }
0x134: {  	v19 =	vmul.f32 $1.442695020e+00, v19;
	v34 =	vadd.f32 $2.000000030e-01, v34;
	v33 =	vmul.f32 v33, v51  }
0x135: {  	(erf) = vpow2.f32 v30;
	v36 =	vadd.f32 $2.000000030e-01, v36;
	v25 =	vmul.f32 v27, v41  }
0x136: {  	v59 =	vcvt.s32.f32 v26;
	v34 =	vmul.f32 v34, v32;
	v33 =	vadd.f32 $3.333333430e-01, v33  }
0x137: {  	v24 =	vmul.f32 $6.931471820e-01, v24;
	v36 =	vmul.f32 v36, v35;
	v25 =	vadd.f32 $1.000000000e+00, v25  }
0x138: {  	(erf) = vpow2.f32 v19;
	v34 =	vadd.f32 $3.333333430e-01, v34;
	v29 =	vmul.f32 v33, v51  }
0x139: {  	v19 =	vmul.f32 $6.931471820e-01, v59;
	v58 =	vadd.f32 $3.333333430e-01, v36;
	v21 =	vmul.f32 v25, v21  }
0x13a: {  	v24 =	vsel vm5, $0x0, v24;
	v57 =	vmul.f32 v34, v32;
	v60 =	vadd.f32 $1.000000000e+00, v29  }
0x13b: {  	v27 =	vadd.s32 $0xFFFFFF81, v55;
	v63 =	vmul.f32 v58, v35;
	v21 =	vadd.f32 v21, v21  }
0x13c: {  	v27 =	vcvt.s32.f32 v27;
	v62 =	vadd.f32 $1.000000000e+00, v57;
	v20 =	vmul.f32 v60, v20  }
0x13d: {  	v19 =	vsel vm15, $0x0, v19;
	v34 =	vadd.f32 $1.000000000e+00, v63;
	v21 =	vadd.f32 v21, v24  }
0x13e: {  	v33 =	vmul.f32 $6.931471820e-01, v27;
	v35 =	vpop (erf);
	v16 =	vmul.f32 v62, v16;
	v20 =	vadd.f32 v20, v20  }
0x13f: {  	v36 =	vadd.f32 $1.000000000e+00, v35;
	v11 =	vmul.f32 v34, v11;
	v21 =	vsub.f32 $0.0e+00, v21  }
0x140: {  	v38 =	vpop (erf);
	v25 =	vsel vm1, $0x0, v33;
	v16 =	vadd.f32 v16, v16;
	v19 =	vadd.f32 v20, v19  }
0x141: {  	v39 =	vadd.f32 $1.000000000e+00, v38;
	v40 =	vpop (erf);
	v11 =	vadd.f32 v11, v11;
	v21 =	vmul.f32 v21, v36  }
0x142: {  	v15 =	vsel vm6, v15, v42;
	v41 =	vpop (erf);
	v16 =	vadd.f32 v16, v25;
	v19 =	vsub.f32 $0.0e+00, v19  }
0x143: {  	v37 =	vsel vm3, $0x0, v61;
	v42 =	vadd.f32 $1.000000000e+00, v41;
	(erf) = vrcp.f32 v21  }
0x144: {  	v11 =	vadd.f32 v11, v37;
	v16 =	vsub.f32 $0.0e+00, v16;
	v19 =	vmul.f32 v19, v39  }
0x145: {  	v10 =	vsel vm6, v10, v12;
	vm7 =	vgt.f32 v23, v15;
	v43 =	vadd.f32 $1.000000000e+00, v40  }
0x146: {  	v16 =	vmul.f32 v16, v42;
	v11 =	vsub.f32 $0.0e+00, v11;
	(erf) = vrcp.f32 v19  }
0x147: {  	v14 =	vsel vm6, v14, v18;
	v17 =	vadd.f32 v22, v17;
	v15 =	vsel vm7, v23, v15  }
0x148: {  	s30 =	sadd.s32 s26, s21;
	v9 =	vsel vm7, v9, v10;
	v44 =	vmul.f32 v11, v43;
	(erf) = vrcp.f32 v16  }
0x149: {  	s0 =	sadd.s32 $0xFFFFFFF0, s30;
	v46 =	vor.u32 s30, v4;
	v49 =	vmul.f32 $5.000000240e-04, v35;
	v53 =	vmul.f32 $5.000000240e-04, v38  }
0x14a: {  	v50 =	vor.u32 s0, v4;
	v51 =	vmul.f32 $5.000000240e-04, v40;
	(erf) = vrcp.f32 v44  }
0x14b: {  	v54 =	vadd.f32 $9.994999760e-01, v49;
	v52 =	vmul.f32 $5.000000240e-04, v41;
	v5 =	vmul.f32 v43, v5  }
0x14c: {  	v58 =	vmul.f32 v36, v8;
	v6 =	vmul.f32 v39, v6;
	v55 =	vadd.f32 $9.994999760e-01, v51;
	v57 =	vpop (erf)  }
0x14d: {  	v7 =	vmul.f32 v42, v7;
	v56 =	vadd.f32 $9.994999760e-01, v52;
	v20 =	vmul.f32 v57, v54  }
0x14e: {  	vm10 =	vlt.f32 v58, v54;
	vm8 =	vlt.f32 v5, v55;
	v21 =	vadd.f32 $9.994999760e-01, v53  }
0x14f: {  	vm9 =	vlt.f32 v7, v56;
	v7 =	vsel vm10, $0x3F800000, v3;
	v5 =	vpop (erf);
	vm11 =	vgt.f32 v20, v15  }
0x150: {  	s31 =	sadd.s32 $0xFFFFFFD0, s30;
	s7 =	sadd.s32 $0xFFFFFFE0, s30;
	vm12 =	vlt.f32 v6, v21;
	v5 =	vmul.f32 v5, v21;
	v6 =	vsel vm11, v20, v15  }
0x151: {  	v48 =	vor.u32 s7, v4;
	v47 =	vor.u32 s31, v4;
	v7 =	vadd.f32 v7, v17;
	v59 =	vpop (erf)  }
0x152: {  	v60 =	vsel vm12, $0x3F800000, v3;
	v8 =	vmul.f32 v59, v56;
	vm13 =	vgt.f32 v5, v6  }
0x153: {  	v45 =	vsel vm7, v13, v14;
	v7 =	vadd.f32 v60, v7;
	v5 =	vsel vm13, v5, v6;
	v6 =	vpop (erf)  }
0x154: {  	v61 =	vsel vm9, $0x3F800000, v3;
	vm14 =	vgt.f32 v8, v5;
	v6 =	vmul.f32 v6, v55  }
0x155: {  	s24 =	sadd.s32 $0x1, s24;
	v7 =	vadd.f32 v61, v7;
	v9 =	vsel vm11, v47, v9;
	v5 =	vsel vm14, v8, v5  }
0x156: {  	p0 =	sne.s32 s24, $0x20;
	v11 =	vsel vm11, v35, v45;
	v62 =	vsel vm13, v48, v9;
	vm15 =	vgt.f32 v6, v5  }
.Ltmp1:
0x157: {  	v63 =	vsel vm13, v38, v11;
	v8 =	vsel vm14, v50, v62;
	v5 =	vsel vm15, v6, v5;
	(pc) =	sbr.rel @p0 .LBB2_3-.Ltmp1, $4  }
0x158: {  	v9 =	vsel vm14, v41, v63;
	v6 =	vsel vm8, $0x3F800000, v3;
	v8 =	vsel vm15, v46, v8;
	[tilespmem:s25+$0x14000] =	vst v5  }
0x159: {  	v5 =	vadd.f32 v6, v7;
	v6 =	vsel vm15, v40, v9;
	[tilespmem:s25+$0x15000] =	vst v8  }
0x15a: {  	[tilespmem:s25+$0x16000] =	vst v6  }
0x15b: {  	[tilespmem:s25+$0x17000] =	vst v5  }
0x15c: {  	s22 =	sadd.s32 $0x1, s22  }
0x15d: {  	p0 =	sne.s32 s22, $0x4  }
.Ltmp2:
0x15e: {  	_ = 	snop;
	(pc) =	sbr.rel @p0 .LBB2_2-.Ltmp2, $2  }
0x15f: {  	_ =	sdelay $0x2  }
0x160: {  	s21 =	sadd.s32 $0x500, s21  }
0x161: {  	s0 =	simm.s32 $0x14000  }
0x162: {  	[hbm4b:s5+s4] =	stream.linear.scatter [tilespmem:s0], [sflag:$0x1], $0x1000, $0x38;
	[tilespmem:$0x18000] =	vst v63  }
0x163: {  	_ =	swait.ge [sflag:s14], $0x1000  }
0x164: {  	[sflag:s14] =	ssyncset.done $0x0  }
0x165: {  	s3 =	simm.s32 $0x15000;
	s25 =	rddreg [dreg:$0x4];
	[sflag:s14] =	ssyncadd.s32 $0xFFFFF000  }
0x166: {  	[hbm4b:s25+s4] =	stream.linear.scatter [tilespmem:s3], [sflag:$0x1], $0x1000, $0x38;
	[tilespmem:$0x18000] =	vst v63  }
0x167: {  	_ =	swait.ge [sflag:s14], $0x1000  }
0x168: {  	[sflag:s14] =	ssyncset.done $0x0  }
0x169: {  	s28 =	simm.s32 $0x16000;
	s26 =	rddreg [dreg:$0x5];
	[sflag:s14] =	ssyncadd.s32 $0xFFFFF000  }
0x16a: {  	[hbm4b:s26+s4] =	stream.linear.scatter [tilespmem:s28], [sflag:$0x1], $0x1000, $0x38;
	[tilespmem:$0x18000] =	vst v63  }
0x16b: {  	_ =	swait.ge [sflag:s14], $0x1000  }
0x16c: {  	[sflag:s14] =	ssyncset.done $0x0  }
0x16d: {  	s30 =	simm.s32 $0x17000;
	s29 =	rddreg [dreg:$0x6];
	[sflag:s14] =	ssyncadd.s32 $0xFFFFF000  }
0x16e: {  	[hbm4b:s29+s4] =	stream.linear.scatter [tilespmem:s30], [sflag:$0x1], $0x1000, $0x38;
	[tilespmem:$0x18000] =	vst v63  }
0x16f: {  	_ =	swait.ge [sflag:s14], $0x1000  }
0x170: {  	s20 =	sadd.s32 $0x1, s20;
	s31 =	rddreg [dreg:$0x7]  }
0x171: {  	p0 =	sne.s32 s20, s31  }
.Ltmp3:
0x172: {  	_ = 	snop;
	(pc) =	sbr.rel @p0 .LBB2_1-.Ltmp3, $3  }
0x173: {  	_ =	sdelay $0x1  }
0x174: {  	[sflag:s14] =	ssyncset.done $0x0  }
0x175: {  	[sflag:s14] =	ssyncadd.s32 $0xFFFFF000  }
0x176: {  	_ =	sfence.sel $0x180000  }
0x177: {  	[bflag:$0x0] =	sbarrier.arrive $0xFFFF  }
0x178: {  	_ =	strace $0x90000047  }
0x179: {  	s0 =	stileid.u32;
	[bflag:$0x2] =	sbarrier.arrive $0xFFFF  }
0x17a: {  	p0 =	sne.s32 s0, $0x0;
	s0 =	rddreg [dreg:$0x3]  }
0x17b: {  	s0 =	sadd.s32 @!p0 $0x100000, s0  }
0x17c: {  	[sflag:s0] =	ssyncadd.tile.s32 @!p0 $0x1;
	_ =	shalt  }
.Lfunc_end2:
_tile_overlayer_lowered:
.L_overlay_start_2:
0x17d: {  	(tag) =	ssettag $0x2  }
0x17e: {  	s0 =	rddreg [dreg:$0x0];
	s2 =	stileid.u32  }
0x17f: {  	s1 =	rddreg [dreg:$0x1];
	p0 =	sne.s32 s2, $0x0  }
0x180: {  	s3 =	rddreg [dreg:$0x2];
	[bflag:$0x3] =	sbarrier.arrive $0xFFFF;
	s2 =	simm.s32 @!p0 $0x1C01  }
0x181: {  	[timem:s3], [sflag:s2] =	dma.local @!p0 [hbm:s0], s1  }
0x182: {  	s0 =	simm.s32 @!p0 $0x1  }
0x183: {  	_ =	swait.ge @!p0 [sflag:s0], s1  }
0x184: {  	s1 =	ssub.s32 @!p0 $0x0, s1;
	[sflag:s0] =	ssyncset.done @!p0 $0x0  }
0x185: {  	[sflag:s0] =	ssyncadd.s32 @!p0 s1  }
0x186: {  	[bflag:$0x3] =	sbarrier.arrive $0xFFFF  }
0x187: {  	_ =	shalt  }

</sc_bundles>
